<compile_context>
chip_gen: v7x
topology: tpu7x:2x2x1
jax: 0.10.2.dev20260603
libtpu: 0.0.44.dev20260713+nightly
codegen_flags: <defaults>
</compile_context>

<pallas_src>
import functools

import jax
import jax.numpy as jnp
from jax import lax
from jax.experimental import pallas as pl
from jax.experimental.pallas import tpu as pltpu
from jax.experimental.pallas import tpu_sc as plsc


def _sc_gather(table, idx, chunk=320):
    n = idx.shape[0]
    d = table.shape[1]
    info = plsc.get_sparse_core_info()
    nw = info.num_cores * info.num_subcores
    per_w = n // nw
    n_chunks = per_w // chunk
    assert per_w % chunk == 0 and n % nw == 0 and n_chunks % 2 == 0
    mesh = plsc.VectorSubcoreMesh(core_axis_name="c", subcore_axis_name="s")

    @functools.partial(
        pl.kernel,
        mesh=mesh,
        out_type=jax.ShapeDtypeStruct((n, d), jnp.bfloat16),
        scratch_types=[
            pltpu.VMEM((per_w,), jnp.int32),
            pltpu.VMEM((chunk, d), jnp.bfloat16),
            pltpu.VMEM((chunk, d), jnp.bfloat16),
            pltpu.SemaphoreType.DMA,
            pltpu.SemaphoreType.DMA,
        ],
        compiler_params=pltpu.CompilerParams(use_tc_tiling_on_sc=False),
    )
    def k(table_hbm, idx_hbm, out_hbm, idx_v, rows0, rows1, g0, g1):
        wid = lax.axis_index("s") * info.num_cores + lax.axis_index("c")
        w_base = pl.multiple_of(wid * per_w, 8)
        pltpu.sync_copy(idx_hbm.at[pl.ds(w_base, per_w)], idx_v)

        def gather(i, buf, sem):
            off = pl.multiple_of(i * chunk, 8)
            return pltpu.make_async_copy(
                table_hbm.at[idx_v.at[pl.ds(off, chunk)]], buf, sem)

        gather(0, rows0, g0).start()

        def body(j, carry):
            i0 = j * 2
            gather(i0, rows0, g0).wait()
            gather(i0 + 1, rows1, g1).start()
            base0 = pl.multiple_of(w_base + i0 * chunk, 8)
            pltpu.sync_copy(rows0, out_hbm.at[pl.ds(base0, chunk)])
            gather(i0 + 1, rows1, g1).wait()

            @pl.when(i0 + 2 < n_chunks)
            def _():
                gather(i0 + 2, rows0, g0).start()

            base1 = pl.multiple_of(w_base + (i0 + 1) * chunk, 8)
            pltpu.sync_copy(rows1, out_hbm.at[pl.ds(base1, chunk)])
            return carry

        lax.fori_loop(0, n_chunks // 2, body, 0)

    return k(table, idx)


def _tc_detile(table_t, blk=16384):
    e_sz, v = table_t.shape

    def body(tt_ref, out_ref):
        out_ref[:, 0:e_sz] = tt_ref[...].T.astype(jnp.bfloat16)

    return pl.pallas_call(
        body,
        grid=(pl.cdiv(v, blk),),
        in_specs=[pl.BlockSpec((e_sz, blk), lambda i: (0, i))],
        out_specs=pl.BlockSpec((blk, 128), lambda i: (i, 0)),
        out_shape=jax.ShapeDtypeStruct((v, 128), jnp.bfloat16),
    )(table_t)


def _tc_bilstm(emb, wkf_t, wrf_t, bf2, wkb_t, wrb_t, bb2, w1_t, b12, w2_t, b22):
    t_len, b_sz, d_pad = emb.shape
    g_sz = wkf_t.shape[0]
    h_sz = g_sz // 4
    e_sz = wkf_t.shape[1]

    def body(xf_ref, xb_ref, wkf_ref, wrf_ref, bf_ref, wkb_ref, wrb_ref,
             bb_ref, w1_ref, b1_ref, w2_ref, b2_ref, out_ref,
             hf, cf, hb, cb):
        t = pl.program_id(0)

        @pl.when(t == 0)
        def _():
            hf[...] = jnp.zeros_like(hf)
            cf[...] = jnp.zeros_like(cf)
            hb[...] = jnp.zeros_like(hb)
            cb[...] = jnp.zeros_like(cb)

        def sig(x):
            return 0.5 * jnp.tanh(0.5 * x) + 0.5

        def step(x_ref, wk_ref, wr_ref, b_ref, h, c):
            xt = x_ref[0][:, 0:e_sz].T
            z = (jnp.dot(wk_ref[...], xt, preferred_element_type=jnp.float32)
                 + jnp.dot(wr_ref[...], h[...].astype(jnp.bfloat16),
                           preferred_element_type=jnp.float32)
                 + b_ref[...])
            i = sig(z[0:h_sz])
            f = sig(z[h_sz:2 * h_sz])
            g = jnp.tanh(z[2 * h_sz:3 * h_sz])
            o = sig(z[3 * h_sz:4 * h_sz])
            cn = f * c[...] + i * g
            c[...] = cn
            h[...] = o * jnp.tanh(cn)

        step(xf_ref, wkf_ref, wrf_ref, bf_ref, hf, cf)
        step(xb_ref, wkb_ref, wrb_ref, bb_ref, hb, cb)

        @pl.when(t == t_len - 1)
        def _():
            hcat = jnp.concatenate([hf[...], hb[...]], axis=0)
            x1 = jnp.dot(w1_ref[...], hcat,
                         preferred_element_type=jnp.float32) + b1_ref[...]
            x1 = jnp.where(x1 >= 0.0, x1, 0.2 * x1)
            x2 = jnp.dot(w2_ref[...], x1,
                         preferred_element_type=jnp.float32) + b2_ref[...]
            out_ref[...] = sig(x2)

    full = lambda a: pl.BlockSpec(a.shape, lambda t: (0,) * a.ndim)
    return pl.pallas_call(
        body,
        grid=(t_len,),
        in_specs=[
            pl.BlockSpec((1, b_sz, d_pad), lambda t: (t, 0, 0)),
            pl.BlockSpec((1, b_sz, d_pad), lambda t: (t_len - 1 - t, 0, 0)),
            full(wkf_t), full(wrf_t), full(bf2),
            full(wkb_t), full(wrb_t), full(bb2),
            full(w1_t), full(b12), full(w2_t), full(b22),
        ],
        out_specs=pl.BlockSpec((3, b_sz), lambda t: (0, 0)),
        out_shape=jax.ShapeDtypeStruct((3, b_sz), jnp.float32),
        scratch_shapes=[pltpu.VMEM((h_sz, b_sz), jnp.float32)] * 4,
    )(emb, emb, wkf_t, wrf_t, bf2, wkb_t, wrb_t, bb2, w1_t, b12, w2_t, b22)


def kernel(text_input, table, Wk_f, Wr_f, b_f, Wk_b, Wr_b, b_b, W1, b1, W2, b2):
    b_sz, t_len = text_input.shape
    e_sz = table.shape[1]

    idx = text_input.astype(jnp.int32).T.reshape(-1)
    table_rm = _tc_detile(table.T)
    emb = _sc_gather(table_rm, idx).reshape(t_len, b_sz, 128)

    bf16 = jnp.bfloat16
    out_t = _tc_bilstm(
        emb,
        Wk_f.T.astype(bf16), Wr_f.T.astype(bf16), b_f.reshape(-1, 1),
        Wk_b.T.astype(bf16), Wr_b.T.astype(bf16), b_b.reshape(-1, 1),
        W1.T, b1.reshape(-1, 1), W2.T, b2.reshape(-1, 1),
    )
    return out_t.T

# --- scband reference (transcript-rebuilt; emitter-appended) ---
"""Pipeline reference for scband-text-vad-64330020159954 (READ-ONLY COPY).

The authoritative reference and input builder live on the scoring server;
editing this copy changes nothing except your own understanding.
"""

import jax, jax.numpy as jnp
import numpy as np

V = 1000000
B = 4096
T = 200
E = 48
H = 24


def setup_inputs(seed: int = 0) -> dict:
    key = jax.random.key(seed)
    ks = jax.random.split(key, 12)
    text_input = jax.random.randint(ks[0], (B, T), 0, V)
    table = jax.random.truncated_normal(ks[1], -2.0, 2.0, (V, E), dtype=jnp.float32) * 0.01
    Wk_f = jax.random.normal(ks[2], (E, 4 * H), dtype=jnp.float32) * 0.05
    Wr_f = jax.random.normal(ks[3], (H, 4 * H), dtype=jnp.float32) * 0.05
    b_f = jnp.zeros((4 * H,), dtype=jnp.float32)
    Wk_b = jax.random.normal(ks[4], (E, 4 * H), dtype=jnp.float32) * 0.05
    Wr_b = jax.random.normal(ks[5], (H, 4 * H), dtype=jnp.float32) * 0.05
    b_b = jnp.zeros((4 * H,), dtype=jnp.float32)
    W1 = jax.random.normal(ks[6], (2 * H, 24), dtype=jnp.float32) * 0.1
    b1 = jnp.zeros((24,), dtype=jnp.float32)
    W2 = jax.random.normal(ks[7], (24, 3), dtype=jnp.float32) * 0.1
    b2 = jnp.zeros((3,), dtype=jnp.float32)
    return {"text_input": text_input, "table": table, "Wk_f": Wk_f, "Wr_f": Wr_f, "b_f": b_f,
            "Wk_b": Wk_b, "Wr_b": Wr_b, "b_b": b_b, "W1": W1, "b1": b1, "W2": W2, "b2": b2}


def _lstm_last(x_tbd, Wk, Wr, b):
    # x_tbd: [T, B, E]; Keras gate order i, f, c(g), o; returns last hidden state [B, H]
    Bn = x_tbd.shape[1]
    def step(carry, xt):
        h, c = carry
        z = xt @ Wk + h @ Wr + b
        i, f, g, o = jnp.split(z, 4, axis=-1)
        i = jax.nn.sigmoid(i)
        f = jax.nn.sigmoid(f)
        g = jnp.tanh(g)
        o = jax.nn.sigmoid(o)
        c = f * c + i * g
        h = o * jnp.tanh(c)
        return (h, c), None
    h0 = jnp.zeros((Bn, H), dtype=x_tbd.dtype)
    c0 = jnp.zeros((Bn, H), dtype=x_tbd.dtype)
    (h, c), _ = jax.lax.scan(step, (h0, c0), x_tbd)
    return h


def reference(text_input, table, Wk_f, Wr_f, b_f, Wk_b, Wr_b, b_b, W1, b1, W2, b2):
    # embedding lookup: [B, T] -> [B, T, E]
    emb = jnp.take(table, text_input, axis=0)
    xs = jnp.transpose(emb, (1, 0, 2))  # [T, B, E]
    h_fwd = _lstm_last(xs, Wk_f, Wr_f, b_f)
    h_bwd = _lstm_last(xs[::-1], Wk_b, Wr_b, b_b)
    h = jnp.concatenate([h_fwd, h_bwd], axis=-1)  # [B, 48] (merge_mode='concat')
    x = jax.nn.leaky_relu(h @ W1 + b1, negative_slope=0.2)
    vad = jax.nn.sigmoid(x @ W2 + b2)
    return vad

if __name__ == "__main__":
    import jax
    _d = setup_inputs()
    print(jax.jit(kernel)(*tuple(_d.values())))

</pallas_src>

<mosaic_0001>
#map = affine_map<(d0, d1) -> (0, 0)>
#map1 = affine_map<(d0, d1) -> (0)>
module attributes {stable_mosaic.version = 14 : i64} {
  func.func @k(%arg0: i32, %arg1: i32, %arg2: memref<1000000x128xbf16, #tpu.memory_space<hbm>>, %arg3: memref<819200xi32, #tpu.memory_space<hbm>>, %arg4: memref<819200x128xbf16, #tpu.memory_space<hbm>>, %arg5: memref<25600xi32, #tpu.memory_space<vmem>>, %arg6: memref<320x128xbf16, #tpu.memory_space<vmem>>, %arg7: memref<320x128xbf16, #tpu.memory_space<vmem>>, %arg8: memref<!tpu.dma_semaphore, #tpu.memory_space<semaphore_mem>>, %arg9: memref<!tpu.dma_semaphore, #tpu.memory_space<semaphore_mem>>) attributes {dimension_semantics = [#tpu.dimension_semantics<core_parallel>, #tpu.dimension_semantics<subcore_parallel>], iteration_bounds = array<i64: 2, 16>, scalar_prefetch = 0 : i64, scratch_operands = 5 : i64, tpu.core_type = #tpu.core_type<sc_vector_subcore>, window_params = [{transform_indices = #map}, {transform_indices = #map1}, {transform_indices = #map}]} {
    %mul3A = arith.constant 2 : i32
    %mul3A_0 = arith.muli %arg1, %mul3A : i32
    %add3A = arith.addi %mul3A_0, %arg0 : i32
    %mul3A_1 = arith.constant 25600 : i32
    %mul3A_2 = arith.muli %add3A, %mul3A_1 : i32
    %multiple_of3A = tpu.assume_multiple %mul3A_2, 8 : i32
    "tpu.region"() ({
      %run_scoped3A = tpu.sem_alloc : memref<!tpu.dma_semaphore, #tpu.memory_space<semaphore_mem>>
      %dma_start3A_13 = tpu.memref_slice %arg3[%multiple_of3A] : memref<819200xi32, #tpu.memory_space<hbm>> -> memref<25600xi32, #tpu.memory_space<hbm>>
      %dma_start3A_14 = tpu.memref_slice %arg3[%multiple_of3A] : memref<819200xi32, #tpu.memory_space<hbm>> -> memref<25600xi32, #tpu.memory_space<hbm>>
      tpu.enqueue_dma source(%dma_start3A_14 : memref<25600xi32, #tpu.memory_space<hbm>>) target(%arg5 : memref<25600xi32, #tpu.memory_space<vmem>>) target_semaphore(%run_scoped3A : memref<!tpu.dma_semaphore, #tpu.memory_space<semaphore_mem>>)
      %dma_wait3A = tpu.memref_slice %arg3[%multiple_of3A] : memref<819200xi32, #tpu.memory_space<hbm>> -> memref<25600xi32, #tpu.memory_space<hbm>>
      %dma_wait3A_15 = tpu.memref_slice %arg3[%multiple_of3A] : memref<819200xi32, #tpu.memory_space<hbm>> -> memref<25600xi32, #tpu.memory_space<hbm>>
      tpu.wait_dma2 semaphore(%run_scoped3A : memref<!tpu.dma_semaphore, #tpu.memory_space<semaphore_mem>>) src(%dma_wait3A_15 : memref<25600xi32, #tpu.memory_space<hbm>>) dst(%arg5 : memref<25600xi32, #tpu.memory_space<vmem>>)
      tpu.yield
    }) : () -> ()
    %multiple_of3A_3 = arith.constant 0 : i32
    %multiple_of3A_4 = tpu.assume_multiple %multiple_of3A_3, 8 : i32
    %dma_start3A = tpu.memref_slice %arg5[%multiple_of3A_4] : memref<25600xi32, #tpu.memory_space<vmem>> -> memref<320xi32, #tpu.memory_space<vmem>>
    %dma_start3A_5 = arith.constant 0 : i32
    %dma_start3A_6 = arith.constant 0 : i32
    %dma_start3A_7 = tpu.memref_slice %arg2[%dma_start3A_5, %dma_start3A_6] : memref<1000000x128xbf16, #tpu.memory_space<hbm>> -> memref<1000000x128xbf16, #tpu.memory_space<hbm>>
    tpu.enqueue_indirect_dma source(%dma_start3A_7 : memref<1000000x128xbf16, #tpu.memory_space<hbm>>) target(%arg6 : memref<320x128xbf16, #tpu.memory_space<vmem>>) offsets(%dma_start3A : memref<320xi32, #tpu.memory_space<vmem>>) semaphore(%arg8 : memref<!tpu.dma_semaphore, #tpu.memory_space<semaphore_mem>>)
    %scan3A = arith.constant 0 : i32
    %scan3A_8 = arith.constant 0 : i32
    %scan3A_9 = arith.constant 40 : i32
    %scan3A_10 = arith.addi %scan3A_8, %scan3A_9 : i32
    %scan3A_11 = arith.constant 1 : i32
    scf.for %scan3A_13 = %scan3A_8 to %scan3A_10 step %scan3A_11  : i32 {
      %mul3A_14 = arith.constant 2 : i32
      %mul3A_15 = arith.muli %scan3A_13, %mul3A_14 : i32
      %mul3A_16 = arith.constant 320 : i32
      %mul3A_17 = arith.muli %mul3A_15, %mul3A_16 : i32
      %multiple_of3A_18 = tpu.assume_multiple %mul3A_17, 8 : i32
      %dma_wait3A = tpu.memref_slice %arg5[%multiple_of3A_18] : memref<25600xi32, #tpu.memory_space<vmem>> -> memref<320xi32, #tpu.memory_space<vmem>>
      %dma_wait3A_19 = arith.constant 0 : i32
      %dma_wait3A_20 = arith.constant 0 : i32
      %dma_wait3A_21 = tpu.memref_slice %arg2[%dma_wait3A_19, %dma_wait3A_20] : memref<1000000x128xbf16, #tpu.memory_space<hbm>> -> memref<1000000x128xbf16, #tpu.memory_space<hbm>>
      tpu.wait_indirect_dma semaphore(%arg8 : memref<!tpu.dma_semaphore, #tpu.memory_space<semaphore_mem>>) src(%dma_wait3A_21 : memref<1000000x128xbf16, #tpu.memory_space<hbm>>) dst(%arg6 : memref<320x128xbf16, #tpu.memory_space<vmem>>)
      %add3A_22 = arith.constant 1 : i32
      %add3A_23 = arith.addi %mul3A_15, %add3A_22 : i32
      %mul3A_24 = arith.constant 320 : i32
      %mul3A_25 = arith.muli %add3A_23, %mul3A_24 : i32
      %multiple_of3A_26 = tpu.assume_multiple %mul3A_25, 8 : i32
      %dma_start3A_27 = tpu.memref_slice %arg5[%multiple_of3A_26] : memref<25600xi32, #tpu.memory_space<vmem>> -> memref<320xi32, #tpu.memory_space<vmem>>
      %dma_start3A_28 = arith.constant 0 : i32
      %dma_start3A_29 = arith.constant 0 : i32
      %dma_start3A_30 = tpu.memref_slice %arg2[%dma_start3A_28, %dma_start3A_29] : memref<1000000x128xbf16, #tpu.memory_space<hbm>> -> memref<1000000x128xbf16, #tpu.memory_space<hbm>>
      tpu.enqueue_indirect_dma source(%dma_start3A_30 : memref<1000000x128xbf16, #tpu.memory_space<hbm>>) target(%arg7 : memref<320x128xbf16, #tpu.memory_space<vmem>>) offsets(%dma_start3A_27 : memref<320xi32, #tpu.memory_space<vmem>>) semaphore(%arg9 : memref<!tpu.dma_semaphore, #tpu.memory_space<semaphore_mem>>)
      %mul3A_31 = arith.constant 320 : i32
      %mul3A_32 = arith.muli %mul3A_15, %mul3A_31 : i32
      %add3A_33 = arith.addi %multiple_of3A, %mul3A_32 : i32
      %multiple_of3A_34 = tpu.assume_multiple %add3A_33, 8 : i32
      "tpu.region"() ({
        %run_scoped3A = tpu.sem_alloc : memref<!tpu.dma_semaphore, #tpu.memory_space<semaphore_mem>>
        %dma_start3A_54 = arith.constant 0 : i32
        %dma_start3A_55 = tpu.memref_slice %arg4[%multiple_of3A_34, %dma_start3A_54] : memref<819200x128xbf16, #tpu.memory_space<hbm>> -> memref<320x128xbf16, #tpu.memory_space<hbm>>
        %dma_start3A_56 = arith.constant 0 : i32
        %dma_start3A_57 = tpu.memref_slice %arg4[%multiple_of3A_34, %dma_start3A_56] : memref<819200x128xbf16, #tpu.memory_space<hbm>> -> memref<320x128xbf16, #tpu.memory_space<hbm>>
        tpu.enqueue_dma source(%arg6 : memref<320x128xbf16, #tpu.memory_space<vmem>>) target(%dma_start3A_57 : memref<320x128xbf16, #tpu.memory_space<hbm>>) target_semaphore(%run_scoped3A : memref<!tpu.dma_semaphore, #tpu.memory_space<semaphore_mem>>)
        %dma_wait3A_58 = arith.constant 0 : i32
        %dma_wait3A_59 = tpu.memref_slice %arg4[%multiple_of3A_34, %dma_wait3A_58] : memref<819200x128xbf16, #tpu.memory_space<hbm>> -> memref<320x128xbf16, #tpu.memory_space<hbm>>
        %dma_wait3A_60 = arith.constant 0 : i32
        %dma_wait3A_61 = tpu.memref_slice %arg4[%multiple_of3A_34, %dma_wait3A_60] : memref<819200x128xbf16, #tpu.memory_space<hbm>> -> memref<320x128xbf16, #tpu.memory_space<hbm>>
        tpu.wait_dma2 semaphore(%run_scoped3A : memref<!tpu.dma_semaphore, #tpu.memory_space<semaphore_mem>>) src(%arg6 : memref<320x128xbf16, #tpu.memory_space<vmem>>) dst(%dma_wait3A_61 : memref<320x128xbf16, #tpu.memory_space<hbm>>)
        tpu.yield
      }) : () -> ()
      %add3A_35 = arith.constant 1 : i32
      %add3A_36 = arith.addi %mul3A_15, %add3A_35 : i32
      %mul3A_37 = arith.constant 320 : i32
      %mul3A_38 = arith.muli %add3A_36, %mul3A_37 : i32
      %multiple_of3A_39 = tpu.assume_multiple %mul3A_38, 8 : i32
      %dma_wait3A_40 = tpu.memref_slice %arg5[%multiple_of3A_39] : memref<25600xi32, #tpu.memory_space<vmem>> -> memref<320xi32, #tpu.memory_space<vmem>>
      %dma_wait3A_41 = arith.constant 0 : i32
      %dma_wait3A_42 = arith.constant 0 : i32
      %dma_wait3A_43 = tpu.memref_slice %arg2[%dma_wait3A_41, %dma_wait3A_42] : memref<1000000x128xbf16, #tpu.memory_space<hbm>> -> memref<1000000x128xbf16, #tpu.memory_space<hbm>>
      tpu.wait_indirect_dma semaphore(%arg9 : memref<!tpu.dma_semaphore, #tpu.memory_space<semaphore_mem>>) src(%dma_wait3A_43 : memref<1000000x128xbf16, #tpu.memory_space<hbm>>) dst(%arg7 : memref<320x128xbf16, #tpu.memory_space<vmem>>)
      %add3A_44 = arith.constant 2 : i32
      %add3A_45 = arith.addi %mul3A_15, %add3A_44 : i32
      %lt3A = arith.constant 80 : i32
      %lt3A_46 = arith.cmpi slt, %add3A_45, %lt3A : i32
      %convert_element_type3A = arith.extui %lt3A_46 : i1 to i32
      %cond3A = arith.constant 0 : i32
      %cond3A_47 = arith.cmpi ne, %convert_element_type3A, %cond3A : i32
      scf.if %cond3A_47 {
        %add3A_54 = arith.constant 2 : i32
        %add3A_55 = arith.addi %mul3A_15, %add3A_54 : i32
        %mul3A_56 = arith.constant 320 : i32
        %mul3A_57 = arith.muli %add3A_55, %mul3A_56 : i32
        %multiple_of3A_58 = tpu.assume_multiple %mul3A_57, 8 : i32
        %dma_start3A_59 = tpu.memref_slice %arg5[%multiple_of3A_58] : memref<25600xi32, #tpu.memory_space<vmem>> -> memref<320xi32, #tpu.memory_space<vmem>>
        %dma_start3A_60 = arith.constant 0 : i32
        %dma_start3A_61 = arith.constant 0 : i32
        %dma_start3A_62 = tpu.memref_slice %arg2[%dma_start3A_60, %dma_start3A_61] : memref<1000000x128xbf16, #tpu.memory_space<hbm>> -> memref<1000000x128xbf16, #tpu.memory_space<hbm>>
        tpu.enqueue_indirect_dma source(%dma_start3A_62 : memref<1000000x128xbf16, #tpu.memory_space<hbm>>) target(%arg6 : memref<320x128xbf16, #tpu.memory_space<vmem>>) offsets(%dma_start3A_59 : memref<320xi32, #tpu.memory_space<vmem>>) semaphore(%arg8 : memref<!tpu.dma_semaphore, #tpu.memory_space<semaphore_mem>>)
      } else {
      }
      %add3A_48 = arith.constant 1 : i32
      %add3A_49 = arith.addi %mul3A_15, %add3A_48 : i32
      %mul3A_50 = arith.constant 320 : i32
      %mul3A_51 = arith.muli %add3A_49, %mul3A_50 : i32
      %add3A_52 = arith.addi %multiple_of3A, %mul3A_51 : i32
      %multiple_of3A_53 = tpu.assume_multiple %add3A_52, 8 : i32
      "tpu.region"() ({
        %run_scoped3A = tpu.sem_alloc : memref<!tpu.dma_semaphore, #tpu.memory_space<semaphore_mem>>
        %dma_start3A_54 = arith.constant 0 : i32
        %dma_start3A_55 = tpu.memref_slice %arg4[%multiple_of3A_53, %dma_start3A_54] : memref<819200x128xbf16, #tpu.memory_space<hbm>> -> memref<320x128xbf16, #tpu.memory_space<hbm>>
        %dma_start3A_56 = arith.constant 0 : i32
        %dma_start3A_57 = tpu.memref_slice %arg4[%multiple_of3A_53, %dma_start3A_56] : memref<819200x128xbf16, #tpu.memory_space<hbm>> -> memref<320x128xbf16, #tpu.memory_space<hbm>>
        tpu.enqueue_dma source(%arg7 : memref<320x128xbf16, #tpu.memory_space<vmem>>) target(%dma_start3A_57 : memref<320x128xbf16, #tpu.memory_space<hbm>>) target_semaphore(%run_scoped3A : memref<!tpu.dma_semaphore, #tpu.memory_space<semaphore_mem>>)
        %dma_wait3A_58 = arith.constant 0 : i32
        %dma_wait3A_59 = tpu.memref_slice %arg4[%multiple_of3A_53, %dma_wait3A_58] : memref<819200x128xbf16, #tpu.memory_space<hbm>> -> memref<320x128xbf16, #tpu.memory_space<hbm>>
        %dma_wait3A_60 = arith.constant 0 : i32
        %dma_wait3A_61 = tpu.memref_slice %arg4[%multiple_of3A_53, %dma_wait3A_60] : memref<819200x128xbf16, #tpu.memory_space<hbm>> -> memref<320x128xbf16, #tpu.memory_space<hbm>>
        tpu.wait_dma2 semaphore(%run_scoped3A : memref<!tpu.dma_semaphore, #tpu.memory_space<semaphore_mem>>) src(%arg7 : memref<320x128xbf16, #tpu.memory_space<vmem>>) dst(%dma_wait3A_61 : memref<320x128xbf16, #tpu.memory_space<hbm>>)
        tpu.yield
      }) : () -> ()
    }
    %scan3A_12 = arith.constant 40 : i32
    return
  }
}

module attributes {stable_mosaic.version = 14 : i64} {
  func.func @body(%arg0: i32, %arg1: memref<48x16384xf32, #tpu.memory_space<vmem>>, %arg2: memref<16384x128xbf16, #tpu.memory_space<vmem>>) attributes {dimension_semantics = [#tpu.dimension_semantics<arbitrary>], iteration_bounds = array<i64: 62>, scalar_prefetch = 0 : i64, scratch_operands = 0 : i64, tpu.core_type = #tpu.core_type<tc>, window_params = [{transform_indices = @transform_0, window_bounds = array<i64: 48, 16384>}, {transform_indices = @transform_1, window_bounds = array<i64: 16384, 128>}]} {
    %get3A = arith.constant 0 : index
    %get3A_0 = arith.constant 0 : index
    %get3A_1 = vector.load %arg1[%get3A, %get3A_0] : memref<48x16384xf32, #tpu.memory_space<vmem>>, vector<48x16384xf32>
    %transpose3A = tpu.transpose %get3A_1, [1, 0] : vector<48x16384xf32> -> vector<16384x48xf32>
    %convert_element_type3A = arith.truncf %transpose3A : vector<16384x48xf32> to vector<16384x48xbf16>
    %swap3A = arith.constant 0 : index
    %swap3A_2 = arith.constant 0 : index
    %swap3A_3 = vector.load %arg2[%swap3A, %swap3A_2] : memref<16384x128xbf16, #tpu.memory_space<vmem>>, vector<16384x48xbf16>
    tpu.vector_store %arg2[%swap3A, %swap3A_2], %convert_element_type3A {strides = array<i32>} : memref<16384x128xbf16, #tpu.memory_space<vmem>>, vector<16384x48xbf16>,
    return
  }
  func.func @transform_0(%arg0: i32) -> (i32, i32) {
    %c0_i32 = arith.constant 0 : i32
    %c0_i32_0 = arith.constant 0 : i32
    return %c0_i32, %arg0 : i32, i32
  }
  func.func @transform_1(%arg0: i32) -> (i32, i32) {
    %c0_i32 = arith.constant 0 : i32
    %c0_i32_0 = arith.constant 0 : i32
    return %arg0, %c0_i32 : i32, i32
  }
}

module attributes {stable_mosaic.version = 14 : i64} {
  func.func @body(%arg0: i32, %arg1: memref<1x4096x128xbf16, #tpu.memory_space<vmem>>, %arg2: memref<1x4096x128xbf16, #tpu.memory_space<vmem>>, %arg3: memref<96x48xbf16, #tpu.memory_space<vmem>>, %arg4: memref<96x24xbf16, #tpu.memory_space<vmem>>, %arg5: memref<96x1xf32, #tpu.memory_space<vmem>>, %arg6: memref<96x48xbf16, #tpu.memory_space<vmem>>, %arg7: memref<96x24xbf16, #tpu.memory_space<vmem>>, %arg8: memref<96x1xf32, #tpu.memory_space<vmem>>, %arg9: memref<24x48xf32, #tpu.memory_space<vmem>>, %arg10: memref<24x1xf32, #tpu.memory_space<vmem>>, %arg11: memref<3x24xf32, #tpu.memory_space<vmem>>, %arg12: memref<3x1xf32, #tpu.memory_space<vmem>>, %arg13: memref<3x4096xf32, #tpu.memory_space<vmem>>, %arg14: memref<24x4096xf32, #tpu.memory_space<vmem>>, %arg15: memref<24x4096xf32, #tpu.memory_space<vmem>>, %arg16: memref<24x4096xf32, #tpu.memory_space<vmem>>, %arg17: memref<24x4096xf32, #tpu.memory_space<vmem>>) attributes {dimension_semantics = [#tpu.dimension_semantics<arbitrary>], iteration_bounds = array<i64: 200>, scalar_prefetch = 0 : i64, scratch_operands = 4 : i64, tpu.core_type = #tpu.core_type<tc>, window_params = [{transform_indices = @transform_0, window_bounds = array<i64: 1, 4096, 128>}, {transform_indices = @transform_1, window_bounds = array<i64: 1, 4096, 128>}, {pipeline_mode = #tpu.pipeline_mode<synchronous>, transform_indices = @transform_2, window_bounds = array<i64: 96, 48>}, {pipeline_mode = #tpu.pipeline_mode<synchronous>, transform_indices = @transform_3, window_bounds = array<i64: 96, 24>}, {pipeline_mode = #tpu.pipeline_mode<synchronous>, transform_indices = @transform_4, window_bounds = array<i64: 96, 1>}, {pipeline_mode = #tpu.pipeline_mode<synchronous>, transform_indices = @transform_5, window_bounds = array<i64: 96, 48>}, {pipeline_mode = #tpu.pipeline_mode<synchronous>, transform_indices = @transform_6, window_bounds = array<i64: 96, 24>}, {pipeline_mode = #tpu.pipeline_mode<synchronous>, transform_indices = @transform_7, window_bounds = array<i64: 96, 1>}, {pipeline_mode = #tpu.pipeline_mode<synchronous>, transform_indices = @transform_8, window_bounds = array<i64: 24, 48>}, {pipeline_mode = #tpu.pipeline_mode<synchronous>, transform_indices = @transform_9, window_bounds = array<i64: 24, 1>}, {pipeline_mode = #tpu.pipeline_mode<synchronous>, transform_indices = @transform_10, window_bounds = array<i64: 3, 24>}, {pipeline_mode = #tpu.pipeline_mode<synchronous>, transform_indices = @transform_11, window_bounds = array<i64: 3, 1>}, {pipeline_mode = #tpu.pipeline_mode<synchronous>, transform_indices = @transform_12, window_bounds = array<i64: 3, 4096>}]} {
    %eq3A = arith.constant 0 : i32
    %eq3A_0 = arith.cmpi eq, %arg0, %eq3A : i32
    %convert_element_type3A = arith.extui %eq3A_0 : i1 to i32
    %cond3A = arith.constant 0 : i32
    %cond3A_1 = arith.cmpi ne, %convert_element_type3A, %cond3A : i32
    scf.if %cond3A_1 {
      %broadcast_in_dim3A = arith.constant 0.000000e+00 : f32
      %broadcast_in_dim3A_151 = vector.broadcast %broadcast_in_dim3A : f32 to vector<24x4096xf32>
      %swap3A_152 = arith.constant 0 : index
      %swap3A_153 = arith.constant 0 : index
      %swap3A_154 = vector.load %arg14[%swap3A_152, %swap3A_153] : memref<24x4096xf32, #tpu.memory_space<vmem>>, vector<24x4096xf32>
      tpu.vector_store %arg14[%swap3A_152, %swap3A_153], %broadcast_in_dim3A_151 {strides = array<i32>} : memref<24x4096xf32, #tpu.memory_space<vmem>>, vector<24x4096xf32>,
      %broadcast_in_dim3A_155 = arith.constant 0.000000e+00 : f32
      %broadcast_in_dim3A_156 = vector.broadcast %broadcast_in_dim3A_155 : f32 to vector<24x4096xf32>
      %swap3A_157 = arith.constant 0 : index
      %swap3A_158 = arith.constant 0 : index
      %swap3A_159 = vector.load %arg15[%swap3A_157, %swap3A_158] : memref<24x4096xf32, #tpu.memory_space<vmem>>, vector<24x4096xf32>
      tpu.vector_store %arg15[%swap3A_157, %swap3A_158], %broadcast_in_dim3A_156 {strides = array<i32>} : memref<24x4096xf32, #tpu.memory_space<vmem>>, vector<24x4096xf32>,
      %broadcast_in_dim3A_160 = arith.constant 0.000000e+00 : f32
      %broadcast_in_dim3A_161 = vector.broadcast %broadcast_in_dim3A_160 : f32 to vector<24x4096xf32>
      %swap3A_162 = arith.constant 0 : index
      %swap3A_163 = arith.constant 0 : index
      %swap3A_164 = vector.load %arg16[%swap3A_162, %swap3A_163] : memref<24x4096xf32, #tpu.memory_space<vmem>>, vector<24x4096xf32>
      tpu.vector_store %arg16[%swap3A_162, %swap3A_163], %broadcast_in_dim3A_161 {strides = array<i32>} : memref<24x4096xf32, #tpu.memory_space<vmem>>, vector<24x4096xf32>,
      %broadcast_in_dim3A_165 = arith.constant 0.000000e+00 : f32
      %broadcast_in_dim3A_166 = vector.broadcast %broadcast_in_dim3A_165 : f32 to vector<24x4096xf32>
      %swap3A_167 = arith.constant 0 : index
      %swap3A_168 = arith.constant 0 : index
      %swap3A_169 = vector.load %arg17[%swap3A_167, %swap3A_168] : memref<24x4096xf32, #tpu.memory_space<vmem>>, vector<24x4096xf32>
      tpu.vector_store %arg17[%swap3A_167, %swap3A_168], %broadcast_in_dim3A_166 {strides = array<i32>} : memref<24x4096xf32, #tpu.memory_space<vmem>>, vector<24x4096xf32>,
    } else {
    }
    %get3A = arith.constant 0 : index
    %get3A_2 = arith.constant 0 : index
    %get3A_3 = arith.constant 0 : index
    %get3A_4 = vector.load %arg1[%get3A, %get3A_2, %get3A_3] : memref<1x4096x128xbf16, #tpu.memory_space<vmem>>, vector<1x4096x128xbf16>
    %get3A_5 = vector.shape_cast %get3A_4 : vector<1x4096x128xbf16> to vector<4096x128xbf16>
    %slice3A = vector.extract_strided_slice %get3A_5 {offsets = [0, 0], sizes = [4096, 48], strides = [1, 1]} : vector<4096x128xbf16> to vector<4096x48xbf16>
    %transpose3A = tpu.transpose %slice3A, [1, 0] : vector<4096x48xbf16> -> vector<48x4096xbf16>
    %get3A_6 = arith.constant 0 : index
    %get3A_7 = arith.constant 0 : index
    %get3A_8 = vector.load %arg3[%get3A_6, %get3A_7] : memref<96x48xbf16, #tpu.memory_space<vmem>>, vector<96x48xbf16>
    %dot_general3A = arith.constant dense<0.000000e+00> : vector<96x4096xf32>
    %dot_general3A_9 = tpu.matmul %get3A_8, %transpose3A, %dot_general3A {dimension_numbers = #tpu.dot_dimension_numbers<[1], [0], [0], [1], [0, 0, 1, 1], [], []>, transpose_lhs_hint = false} : vector<96x48xbf16>, vector<48x4096xbf16>, vector<96x4096xf32> -> vector<96x4096xf32>
    %get3A_10 = arith.constant 0 : index
    %get3A_11 = arith.constant 0 : index
    %get3A_12 = vector.load %arg4[%get3A_10, %get3A_11] : memref<96x24xbf16, #tpu.memory_space<vmem>>, vector<96x24xbf16>
    %get3A_13 = arith.constant 0 : index
    %get3A_14 = arith.constant 0 : index
    %get3A_15 = vector.load %arg14[%get3A_13, %get3A_14] : memref<24x4096xf32, #tpu.memory_space<vmem>>, vector<24x4096xf32>
    %convert_element_type3A_16 = arith.truncf %get3A_15 : vector<24x4096xf32> to vector<24x4096xbf16>
    %dot_general3A_17 = arith.constant dense<0.000000e+00> : vector<96x4096xf32>
    %dot_general3A_18 = tpu.matmul %get3A_12, %convert_element_type3A_16, %dot_general3A_17 {dimension_numbers = #tpu.dot_dimension_numbers<[1], [0], [0], [1], [0, 0, 1, 1], [], []>, transpose_lhs_hint = false} : vector<96x24xbf16>, vector<24x4096xbf16>, vector<96x4096xf32> -> vector<96x4096xf32>
    %add3A = arith.addf %dot_general3A_9, %dot_general3A_18 : vector<96x4096xf32>
    %get3A_19 = arith.constant 0 : index
    %get3A_20 = arith.constant 0 : index
    %get3A_21 = vector.load %arg5[%get3A_19, %get3A_20] : memref<96x1xf32, #tpu.memory_space<vmem>>, vector<96x1xf32>
    %add3A_22 = vector.broadcast %get3A_21 : vector<96x1xf32> to vector<96x4096xf32>
    %add3A_23 = arith.addf %add3A, %add3A_22 : vector<96x4096xf32>
    %slice3A_24 = vector.extract_strided_slice %add3A_23 {offsets = [0, 0], sizes = [24, 4096], strides = [1, 1]} : vector<96x4096xf32> to vector<24x4096xf32>
    %mul3A = arith.constant 5.000000e-01 : f32
    %mul3A_25 = vector.broadcast %mul3A : f32 to vector<24x4096xf32>
    %mul3A_26 = arith.mulf %mul3A_25, %slice3A_24 : vector<24x4096xf32>
    %tanh3A = math.tanh %mul3A_26 : vector<24x4096xf32>
    %mul3A_27 = arith.constant 5.000000e-01 : f32
    %mul3A_28 = vector.broadcast %mul3A_27 : f32 to vector<24x4096xf32>
    %mul3A_29 = arith.mulf %mul3A_28, %tanh3A : vector<24x4096xf32>
    %add3A_30 = arith.constant 5.000000e-01 : f32
    %add3A_31 = vector.broadcast %add3A_30 : f32 to vector<24x4096xf32>
    %add3A_32 = arith.addf %mul3A_29, %add3A_31 : vector<24x4096xf32>
    %slice3A_33 = vector.extract_strided_slice %add3A_23 {offsets = [24, 0], sizes = [24, 4096], strides = [1, 1]} : vector<96x4096xf32> to vector<24x4096xf32>
    %mul3A_34 = arith.constant 5.000000e-01 : f32
    %mul3A_35 = vector.broadcast %mul3A_34 : f32 to vector<24x4096xf32>
    %mul3A_36 = arith.mulf %mul3A_35, %slice3A_33 : vector<24x4096xf32>
    %tanh3A_37 = math.tanh %mul3A_36 : vector<24x4096xf32>
    %mul3A_38 = arith.constant 5.000000e-01 : f32
    %mul3A_39 = vector.broadcast %mul3A_38 : f32 to vector<24x4096xf32>
    %mul3A_40 = arith.mulf %mul3A_39, %tanh3A_37 : vector<24x4096xf32>
    %add3A_41 = arith.constant 5.000000e-01 : f32
    %add3A_42 = vector.broadcast %add3A_41 : f32 to vector<24x4096xf32>
    %add3A_43 = arith.addf %mul3A_40, %add3A_42 : vector<24x4096xf32>
    %slice3A_44 = vector.extract_strided_slice %add3A_23 {offsets = [48, 0], sizes = [24, 4096], strides = [1, 1]} : vector<96x4096xf32> to vector<24x4096xf32>
    %tanh3A_45 = math.tanh %slice3A_44 : vector<24x4096xf32>
    %slice3A_46 = vector.extract_strided_slice %add3A_23 {offsets = [72, 0], sizes = [24, 4096], strides = [1, 1]} : vector<96x4096xf32> to vector<24x4096xf32>
    %mul3A_47 = arith.constant 5.000000e-01 : f32
    %mul3A_48 = vector.broadcast %mul3A_47 : f32 to vector<24x4096xf32>
    %mul3A_49 = arith.mulf %mul3A_48, %slice3A_46 : vector<24x4096xf32>
    %tanh3A_50 = math.tanh %mul3A_49 : vector<24x4096xf32>
    %mul3A_51 = arith.constant 5.000000e-01 : f32
    %mul3A_52 = vector.broadcast %mul3A_51 : f32 to vector<24x4096xf32>
    %mul3A_53 = arith.mulf %mul3A_52, %tanh3A_50 : vector<24x4096xf32>
    %add3A_54 = arith.constant 5.000000e-01 : f32
    %add3A_55 = vector.broadcast %add3A_54 : f32 to vector<24x4096xf32>
    %add3A_56 = arith.addf %mul3A_53, %add3A_55 : vector<24x4096xf32>
    %get3A_57 = arith.constant 0 : index
    %get3A_58 = arith.constant 0 : index
    %get3A_59 = vector.load %arg15[%get3A_57, %get3A_58] : memref<24x4096xf32, #tpu.memory_space<vmem>>, vector<24x4096xf32>
    %mul3A_60 = arith.mulf %add3A_43, %get3A_59 : vector<24x4096xf32>
    %mul3A_61 = arith.mulf %add3A_32, %tanh3A_45 : vector<24x4096xf32>
    %add3A_62 = arith.addf %mul3A_60, %mul3A_61 : vector<24x4096xf32>
    %swap3A = arith.constant 0 : index
    %swap3A_63 = arith.constant 0 : index
    %swap3A_64 = vector.load %arg15[%swap3A, %swap3A_63] : memref<24x4096xf32, #tpu.memory_space<vmem>>, vector<24x4096xf32>
    tpu.vector_store %arg15[%swap3A, %swap3A_63], %add3A_62 {strides = array<i32>} : memref<24x4096xf32, #tpu.memory_space<vmem>>, vector<24x4096xf32>,
    %tanh3A_65 = math.tanh %add3A_62 : vector<24x4096xf32>
    %mul3A_66 = arith.mulf %add3A_56, %tanh3A_65 : vector<24x4096xf32>
    %swap3A_67 = arith.constant 0 : index
    %swap3A_68 = arith.constant 0 : index
    %swap3A_69 = vector.load %arg14[%swap3A_67, %swap3A_68] : memref<24x4096xf32, #tpu.memory_space<vmem>>, vector<24x4096xf32>
    tpu.vector_store %arg14[%swap3A_67, %swap3A_68], %mul3A_66 {strides = array<i32>} : memref<24x4096xf32, #tpu.memory_space<vmem>>, vector<24x4096xf32>,
    %get3A_70 = arith.constant 0 : index
    %get3A_71 = arith.constant 0 : index
    %get3A_72 = arith.constant 0 : index
    %get3A_73 = vector.load %arg2[%get3A_70, %get3A_71, %get3A_72] : memref<1x4096x128xbf16, #tpu.memory_space<vmem>>, vector<1x4096x128xbf16>
    %get3A_74 = vector.shape_cast %get3A_73 : vector<1x4096x128xbf16> to vector<4096x128xbf16>
    %slice3A_75 = vector.extract_strided_slice %get3A_74 {offsets = [0, 0], sizes = [4096, 48], strides = [1, 1]} : vector<4096x128xbf16> to vector<4096x48xbf16>
    %transpose3A_76 = tpu.transpose %slice3A_75, [1, 0] : vector<4096x48xbf16> -> vector<48x4096xbf16>
    %get3A_77 = arith.constant 0 : index
    %get3A_78 = arith.constant 0 : index
    %get3A_79 = vector.load %arg6[%get3A_77, %get3A_78] : memref<96x48xbf16, #tpu.memory_space<vmem>>, vector<96x48xbf16>
    %dot_general3A_80 = arith.constant dense<0.000000e+00> : vector<96x4096xf32>
    %dot_general3A_81 = tpu.matmul %get3A_79, %transpose3A_76, %dot_general3A_80 {dimension_numbers = #tpu.dot_dimension_numbers<[1], [0], [0], [1], [0, 0, 1, 1], [], []>, transpose_lhs_hint = false} : vector<96x48xbf16>, vector<48x4096xbf16>, vector<96x4096xf32> -> vector<96x4096xf32>
    %get3A_82 = arith.constant 0 : index
    %get3A_83 = arith.constant 0 : index
    %get3A_84 = vector.load %arg7[%get3A_82, %get3A_83] : memref<96x24xbf16, #tpu.memory_space<vmem>>, vector<96x24xbf16>
    %get3A_85 = arith.constant 0 : index
    %get3A_86 = arith.constant 0 : index
    %get3A_87 = vector.load %arg16[%get3A_85, %get3A_86] : memref<24x4096xf32, #tpu.memory_space<vmem>>, vector<24x4096xf32>
    %convert_element_type3A_88 = arith.truncf %get3A_87 : vector<24x4096xf32> to vector<24x4096xbf16>
    %dot_general3A_89 = arith.constant dense<0.000000e+00> : vector<96x4096xf32>
    %dot_general3A_90 = tpu.matmul %get3A_84, %convert_element_type3A_88, %dot_general3A_89 {dimension_numbers = #tpu.dot_dimension_numbers<[1], [0], [0], [1], [0, 0, 1, 1], [], []>, transpose_lhs_hint = false} : vector<96x24xbf16>, vector<24x4096xbf16>, vector<96x4096xf32> -> vector<96x4096xf32>
    %add3A_91 = arith.addf %dot_general3A_81, %dot_general3A_90 : vector<96x4096xf32>
    %get3A_92 = arith.constant 0 : index
    %get3A_93 = arith.constant 0 : index
    %get3A_94 = vector.load %arg8[%get3A_92, %get3A_93] : memref<96x1xf32, #tpu.memory_space<vmem>>, vector<96x1xf32>
    %add3A_95 = vector.broadcast %get3A_94 : vector<96x1xf32> to vector<96x4096xf32>
    %add3A_96 = arith.addf %add3A_91, %add3A_95 : vector<96x4096xf32>
    %slice3A_97 = vector.extract_strided_slice %add3A_96 {offsets = [0, 0], sizes = [24, 4096], strides = [1, 1]} : vector<96x4096xf32> to vector<24x4096xf32>
    %mul3A_98 = arith.constant 5.000000e-01 : f32
    %mul3A_99 = vector.broadcast %mul3A_98 : f32 to vector<24x4096xf32>
    %mul3A_100 = arith.mulf %mul3A_99, %slice3A_97 : vector<24x4096xf32>
    %tanh3A_101 = math.tanh %mul3A_100 : vector<24x4096xf32>
    %mul3A_102 = arith.constant 5.000000e-01 : f32
    %mul3A_103 = vector.broadcast %mul3A_102 : f32 to vector<24x4096xf32>
    %mul3A_104 = arith.mulf %mul3A_103, %tanh3A_101 : vector<24x4096xf32>
    %add3A_105 = arith.constant 5.000000e-01 : f32
    %add3A_106 = vector.broadcast %add3A_105 : f32 to vector<24x4096xf32>
    %add3A_107 = arith.addf %mul3A_104, %add3A_106 : vector<24x4096xf32>
    %slice3A_108 = vector.extract_strided_slice %add3A_96 {offsets = [24, 0], sizes = [24, 4096], strides = [1, 1]} : vector<96x4096xf32> to vector<24x4096xf32>
    %mul3A_109 = arith.constant 5.000000e-01 : f32
    %mul3A_110 = vector.broadcast %mul3A_109 : f32 to vector<24x4096xf32>
    %mul3A_111 = arith.mulf %mul3A_110, %slice3A_108 : vector<24x4096xf32>
    %tanh3A_112 = math.tanh %mul3A_111 : vector<24x4096xf32>
    %mul3A_113 = arith.constant 5.000000e-01 : f32
    %mul3A_114 = vector.broadcast %mul3A_113 : f32 to vector<24x4096xf32>
    %mul3A_115 = arith.mulf %mul3A_114, %tanh3A_112 : vector<24x4096xf32>
    %add3A_116 = arith.constant 5.000000e-01 : f32
    %add3A_117 = vector.broadcast %add3A_116 : f32 to vector<24x4096xf32>
    %add3A_118 = arith.addf %mul3A_115, %add3A_117 : vector<24x4096xf32>
    %slice3A_119 = vector.extract_strided_slice %add3A_96 {offsets = [48, 0], sizes = [24, 4096], strides = [1, 1]} : vector<96x4096xf32> to vector<24x4096xf32>
    %tanh3A_120 = math.tanh %slice3A_119 : vector<24x4096xf32>
    %slice3A_121 = vector.extract_strided_slice %add3A_96 {offsets = [72, 0], sizes = [24, 4096], strides = [1, 1]} : vector<96x4096xf32> to vector<24x4096xf32>
    %mul3A_122 = arith.constant 5.000000e-01 : f32
    %mul3A_123 = vector.broadcast %mul3A_122 : f32 to vector<24x4096xf32>
    %mul3A_124 = arith.mulf %mul3A_123, %slice3A_121 : vector<24x4096xf32>
    %tanh3A_125 = math.tanh %mul3A_124 : vector<24x4096xf32>
    %mul3A_126 = arith.constant 5.000000e-01 : f32
    %mul3A_127 = vector.broadcast %mul3A_126 : f32 to vector<24x4096xf32>
    %mul3A_128 = arith.mulf %mul3A_127, %tanh3A_125 : vector<24x4096xf32>
    %add3A_129 = arith.constant 5.000000e-01 : f32
    %add3A_130 = vector.broadcast %add3A_129 : f32 to vector<24x4096xf32>
    %add3A_131 = arith.addf %mul3A_128, %add3A_130 : vector<24x4096xf32>
    %get3A_132 = arith.constant 0 : index
    %get3A_133 = arith.constant 0 : index
    %get3A_134 = vector.load %arg17[%get3A_132, %get3A_133] : memref<24x4096xf32, #tpu.memory_space<vmem>>, vector<24x4096xf32>
    %mul3A_135 = arith.mulf %add3A_118, %get3A_134 : vector<24x4096xf32>
    %mul3A_136 = arith.mulf %add3A_107, %tanh3A_120 : vector<24x4096xf32>
    %add3A_137 = arith.addf %mul3A_135, %mul3A_136 : vector<24x4096xf32>
    %swap3A_138 = arith.constant 0 : index
    %swap3A_139 = arith.constant 0 : index
    %swap3A_140 = vector.load %arg17[%swap3A_138, %swap3A_139] : memref<24x4096xf32, #tpu.memory_space<vmem>>, vector<24x4096xf32>
    tpu.vector_store %arg17[%swap3A_138, %swap3A_139], %add3A_137 {strides = array<i32>} : memref<24x4096xf32, #tpu.memory_space<vmem>>, vector<24x4096xf32>,
    %tanh3A_141 = math.tanh %add3A_137 : vector<24x4096xf32>
    %mul3A_142 = arith.mulf %add3A_131, %tanh3A_141 : vector<24x4096xf32>
    %swap3A_143 = arith.constant 0 : index
    %swap3A_144 = arith.constant 0 : index
    %swap3A_145 = vector.load %arg16[%swap3A_143, %swap3A_144] : memref<24x4096xf32, #tpu.memory_space<vmem>>, vector<24x4096xf32>
    tpu.vector_store %arg16[%swap3A_143, %swap3A_144], %mul3A_142 {strides = array<i32>} : memref<24x4096xf32, #tpu.memory_space<vmem>>, vector<24x4096xf32>,
    %eq3A_146 = arith.constant 199 : i32
    %eq3A_147 = arith.cmpi eq, %arg0, %eq3A_146 : i32
    %convert_element_type3A_148 = arith.extui %eq3A_147 : i1 to i32
    %cond3A_149 = arith.constant 0 : i32
    %cond3A_150 = arith.cmpi ne, %convert_element_type3A_148, %cond3A_149 : i32
    scf.if %cond3A_150 {
      %get3A_151 = arith.constant 0 : index
      %get3A_152 = arith.constant 0 : index
      %get3A_153 = vector.load %arg14[%get3A_151, %get3A_152] : memref<24x4096xf32, #tpu.memory_space<vmem>>, vector<24x4096xf32>
      %get3A_154 = arith.constant 0 : index
      %get3A_155 = arith.constant 0 : index
      %get3A_156 = vector.load %arg16[%get3A_154, %get3A_155] : memref<24x4096xf32, #tpu.memory_space<vmem>>, vector<24x4096xf32>
      %concatenate3A = tpu.concatenate %get3A_153, %get3A_156 in 0 : vector<24x4096xf32>, vector<24x4096xf32> -> vector<48x4096xf32>
      %get3A_157 = arith.constant 0 : index
      %get3A_158 = arith.constant 0 : index
      %get3A_159 = vector.load %arg9[%get3A_157, %get3A_158] : memref<24x48xf32, #tpu.memory_space<vmem>>, vector<24x48xf32>
      %dot_general3A_160 = arith.constant dense<0.000000e+00> : vector<24x4096xf32>
      %dot_general3A_161 = tpu.matmul %get3A_159, %concatenate3A, %dot_general3A_160 {dimension_numbers = #tpu.dot_dimension_numbers<[1], [0], [0], [1], [0, 0, 1, 1], [], []>, transpose_lhs_hint = false} : vector<24x48xf32>, vector<48x4096xf32>, vector<24x4096xf32> -> vector<24x4096xf32>
      %get3A_162 = arith.constant 0 : index
      %get3A_163 = arith.constant 0 : index
      %get3A_164 = vector.load %arg10[%get3A_162, %get3A_163] : memref<24x1xf32, #tpu.memory_space<vmem>>, vector<24x1xf32>
      %add3A_165 = vector.broadcast %get3A_164 : vector<24x1xf32> to vector<24x4096xf32>
      %add3A_166 = arith.addf %dot_general3A_161, %add3A_165 : vector<24x4096xf32>
      %ge3A = arith.constant 0.000000e+00 : f32
      %ge3A_167 = vector.broadcast %ge3A : f32 to vector<24x4096xf32>
      %ge3A_168 = arith.cmpf oge, %add3A_166, %ge3A_167 : vector<24x4096xf32>
      %mul3A_169 = arith.constant 2.000000e-01 : f32
      %mul3A_170 = vector.broadcast %mul3A_169 : f32 to vector<24x4096xf32>
      %mul3A_171 = arith.mulf %mul3A_170, %add3A_166 : vector<24x4096xf32>
      %select_n3A = arith.select %ge3A_168, %add3A_166, %mul3A_171 : vector<24x4096xi1>, vector<24x4096xf32>
      %get3A_172 = arith.constant 0 : index
      %get3A_173 = arith.constant 0 : index
      %get3A_174 = vector.load %arg11[%get3A_172, %get3A_173] : memref<3x24xf32, #tpu.memory_space<vmem>>, vector<3x24xf32>
      %dot_general3A_175 = arith.constant dense<0.000000e+00> : vector<3x4096xf32>
      %dot_general3A_176 = tpu.matmul %get3A_174, %select_n3A, %dot_general3A_175 {dimension_numbers = #tpu.dot_dimension_numbers<[1], [0], [0], [1], [0, 0, 1, 1], [], []>, transpose_lhs_hint = false} : vector<3x24xf32>, vector<24x4096xf32>, vector<3x4096xf32> -> vector<3x4096xf32>
      %get3A_177 = arith.constant 0 : index
      %get3A_178 = arith.constant 0 : index
      %get3A_179 = vector.load %arg12[%get3A_177, %get3A_178] : memref<3x1xf32, #tpu.memory_space<vmem>>, vector<3x1xf32>
      %add3A_180 = vector.broadcast %get3A_179 : vector<3x1xf32> to vector<3x4096xf32>
      %add3A_181 = arith.addf %dot_general3A_176, %add3A_180 : vector<3x4096xf32>
      %mul3A_182 = arith.constant 5.000000e-01 : f32
      %mul3A_183 = vector.broadcast %mul3A_182 : f32 to vector<3x4096xf32>
      %mul3A_184 = arith.mulf %mul3A_183, %add3A_181 : vector<3x4096xf32>
      %tanh3A_185 = math.tanh %mul3A_184 : vector<3x4096xf32>
      %mul3A_186 = arith.constant 5.000000e-01 : f32
      %mul3A_187 = vector.broadcast %mul3A_186 : f32 to vector<3x4096xf32>
      %mul3A_188 = arith.mulf %mul3A_187, %tanh3A_185 : vector<3x4096xf32>
      %add3A_189 = arith.constant 5.000000e-01 : f32
      %add3A_190 = vector.broadcast %add3A_189 : f32 to vector<3x4096xf32>
      %add3A_191 = arith.addf %mul3A_188, %add3A_190 : vector<3x4096xf32>
      %swap3A_192 = arith.constant 0 : index
      %swap3A_193 = arith.constant 0 : index
      %swap3A_194 = vector.load %arg13[%swap3A_192, %swap3A_193] : memref<3x4096xf32, #tpu.memory_space<vmem>>, vector<3x4096xf32>
      tpu.vector_store %arg13[%swap3A_192, %swap3A_193], %add3A_191 {strides = array<i32>} : memref<3x4096xf32, #tpu.memory_space<vmem>>, vector<3x4096xf32>,
    } else {
    }
    return
  }
  func.func @transform_0(%arg0: i32) -> (i32, i32, i32) {
    %c0_i32 = arith.constant 0 : i32
    %c0_i32_0 = arith.constant 0 : i32
    %c0_i32_1 = arith.constant 0 : i32
    return %arg0, %c0_i32, %c0_i32_0 : i32, i32, i32
  }
  func.func @transform_1(%arg0: i32) -> (i32, i32, i32) {
    %sub3A = arith.constant 199 : i32
    %sub3A_0 = arith.subi %sub3A, %arg0 : i32
    %c0_i32 = arith.constant 0 : i32
    %c0_i32_1 = arith.constant 0 : i32
    %c0_i32_2 = arith.constant 0 : i32
    return %sub3A_0, %c0_i32, %c0_i32_1 : i32, i32, i32
  }
  func.func @transform_2(%arg0: i32) -> (i32, i32) {
    %c0_i32 = arith.constant 0 : i32
    %c0_i32_0 = arith.constant 0 : i32
    %c0_i32_1 = arith.constant 0 : i32
    return %c0_i32, %c0_i32_0 : i32, i32
  }
  func.func @transform_3(%arg0: i32) -> (i32, i32) {
    %c0_i32 = arith.constant 0 : i32
    %c0_i32_0 = arith.constant 0 : i32
    %c0_i32_1 = arith.constant 0 : i32
    return %c0_i32, %c0_i32_0 : i32, i32
  }
  func.func @transform_4(%arg0: i32) -> (i32, i32) {
    %c0_i32 = arith.constant 0 : i32
    %c0_i32_0 = arith.constant 0 : i32
    %c0_i32_1 = arith.constant 0 : i32
    return %c0_i32, %c0_i32_0 : i32, i32
  }
  func.func @transform_5(%arg0: i32) -> (i32, i32) {
    %c0_i32 = arith.constant 0 : i32
    %c0_i32_0 = arith.constant 0 : i32
    %c0_i32_1 = arith.constant 0 : i32
    return %c0_i32, %c0_i32_0 : i32, i32
  }
  func.func @transform_6(%arg0: i32) -> (i32, i32) {
    %c0_i32 = arith.constant 0 : i32
    %c0_i32_0 = arith.constant 0 : i32
    %c0_i32_1 = arith.constant 0 : i32
    return %c0_i32, %c0_i32_0 : i32, i32
  }
  func.func @transform_7(%arg0: i32) -> (i32, i32) {
    %c0_i32 = arith.constant 0 : i32
    %c0_i32_0 = arith.constant 0 : i32
    %c0_i32_1 = arith.constant 0 : i32
    return %c0_i32, %c0_i32_0 : i32, i32
  }
  func.func @transform_8(%arg0: i32) -> (i32, i32) {
    %c0_i32 = arith.constant 0 : i32
    %c0_i32_0 = arith.constant 0 : i32
    %c0_i32_1 = arith.constant 0 : i32
    return %c0_i32, %c0_i32_0 : i32, i32
  }
  func.func @transform_9(%arg0: i32) -> (i32, i32) {
    %c0_i32 = arith.constant 0 : i32
    %c0_i32_0 = arith.constant 0 : i32
    %c0_i32_1 = arith.constant 0 : i32
    return %c0_i32, %c0_i32_0 : i32, i32
  }
  func.func @transform_10(%arg0: i32) -> (i32, i32) {
    %c0_i32 = arith.constant 0 : i32
    %c0_i32_0 = arith.constant 0 : i32
    %c0_i32_1 = arith.constant 0 : i32
    return %c0_i32, %c0_i32_0 : i32, i32
  }
  func.func @transform_11(%arg0: i32) -> (i32, i32) {
    %c0_i32 = arith.constant 0 : i32
    %c0_i32_0 = arith.constant 0 : i32
    %c0_i32_1 = arith.constant 0 : i32
    return %c0_i32, %c0_i32_0 : i32, i32
  }
  func.func @transform_12(%arg0: i32) -> (i32, i32) {
    %c0_i32 = arith.constant 0 : i32
    %c0_i32_0 = arith.constant 0 : i32
    %c0_i32_1 = arith.constant 0 : i32
    return %c0_i32, %c0_i32_0 : i32, i32
  }
}

</mosaic_0001>

<sc_bundles>
// kernel: kernel.5.cloned.1.call-start
scs
__scs_entry_jumppad:
0x0: {  	(pc) =	sbr.rel $0x88, $3  }
0x1: {  	(tag) =	ssettag $0x0;
	lr =	simm.s32 $0x1  }
0x2: {  	[smem:$0x3F95] =	sst lr;
	_ =	strace $0xD0000000  }
0x3: {  	_ = 	snop  }
0x4: {  	_ = 	snop  }
0x5: {  	_ = 	snop  }
0x6: {  	_ = 	snop  }
0x7: {  	_ = 	snop  }
__scs_overlays_trampoline_lowered:
0x8: {  	[smem:$0x3FA4] =	sst s0  }
0x9: {  	[smem:$0x3FA5] =	sst s1  }
0xa: {  	[smem:$0x3FA6] =	sst s2  }
0xb: {  	[smem:$0x3FA7] =	sst s3  }
0xc: {  	[smem:$0x3FA8] =	sst s4  }
0xd: {  	[smem:$0x3FA9] =	sst s5  }
0xe: {  	[smem:$0x3FAA] =	sst s6  }
0xf: {  	[smem:$0x3FAB] =	sst s7  }
0x10: {  	[smem:$0x3FAC] =	sst s8  }
0x11: {  	[smem:$0x3FAD] =	sst s9;
	s0 =	simm.s32 @!p0 $0x0  }
0x12: {  	s1 =	sld [smem:$0x3F93];
	s0 =	simm.s32 @p0 $0x1  }
0x13: {  	[smem:$0x3FAE] =	sst s0;
	s0 =	simm.s32 @!p1 $0x0  }
0x14: {  	s2 =	sld [smem:$0x3F92];
	s0 =	simm.s32 @p1 $0x1  }
0x15: {  	[smem:$0x3FAF] =	sst s0;
	s0 =	simm.s32 @!p2 $0x0  }
0x16: {  	s3 =	sld [smem:$0x3FDB];
	s0 =	simm.s32 @p2 $0x1  }
0x17: {  	s4 =	simm.s32 $0x1BF5;
	[smem:$0x3FB1] =	sst s0  }
0x18: {  	s0 =	sld [smem:$0x3F94];
	_ =	swait.ge [sflag:s4], $0x0  }
0x19: {  	s7 =	sld [smem:$0x3F95]  }
0x1a: {  	s8 =	sadd.s32 $0xFFFFE003, lr  }
0x1b: {  	s9 =	sadd.s32 $0xFFFFFEF7, lr;
	s5 =	simm.s32 $0xFFFFFFFF;
	p2 =	slt.u32 s8, $0xFFFFF086  }
0x1c: {  	p1 =	slt.u32 s9, $0xF7A;
	s5 =	simm.s32 @!p2 $0x0  }
0x1d: {  	s5 =	simm.s32 @p1 $0x1;
	p0 =	seq.s32 s7, s2  }
0x1e: {  	s7 =	smul.u32 @!p0 $0xF7A, s2;
	p2 =	seq.s32 @!p0 s5, $0x0  }
0x1f: {  	s9 =	smul.u32 $0xF7A, s1;
	s8 =	simm.s32 @!p0 $0x1BF5;
	p2 =	por !p2, p0  }
0x20: {  	[sflag:s8] =	ssyncset.s32 @!p0 $0xFFFFF086;
	s6 =	sadd.s32 @!p0 s3, s7;
	s7 =	simm.s32 @!p0 $0x108  }
0x21: {  	s3 =	sadd.s32 s3, s9;
	s6 =	sadd.s32 @!p0 $0x88, s6;
	s7 =	simm.s32 @p2 $0x1082  }
0x22: {  	[simem:s7], [sflag:s8] =	dma.local @!p0 [hbm:s6], $0xF7A  }
0x23: {  	s9 =	sor.u32 $0xD0000000, s2;
	s6 =	simm.s32 $0x108;
	_ =	swait.ge @!p0 [sflag:s8], $0x0  }
0x24: {  	s3 =	sadd.s32 $0x88, s3;
	s6 =	simm.s32 @!p1 $0x1082;
	[sflag:s4] =	ssyncset.s32 $0xFFFFF086  }
0x25: {  	[simem:s6], [sflag:s4] =	dma.local [hbm:s3], $0xF7A  }
0x26: {  	[smem:$0x3F95] =	sst s1;
	(tag) =	ssettag s2;
	_ =	strace s9  }
0x27: {  	s1 =	sld [smem:$0x3FA5]  }
0x28: {  	s2 =	sld [smem:$0x3FA6]  }
0x29: {  	s4 =	sld [smem:$0x3FA8]  }
0x2a: {  	p0 =	seq.s32 s5, $0x0;
	s5 =	sld [smem:$0x3FA9]  }
0x2b: {  	s6 =	sld [smem:$0x3FAA]  }
0x2c: {  	s7 =	sld [smem:$0x3FAB]  }
0x2d: {  	s3 =	simm.s32 $0x108;
	s8 =	sld [smem:$0x3FAC]  }
0x2e: {  	s3 =	simm.s32 @!p0 $0x1082;
	s9 =	sld [smem:$0x3FAD]  }
0x2f: {  	lr =	sadd.s32 s0, s3;
	s0 =	sld [smem:$0x3FA4]  }
0x30: {  	s3 =	sld [smem:$0x3FA7]  }
0x31: {  	[smem:$0x3FB0] =	sst s10  }
0x32: {  	s10 =	sld [smem:$0x3FAE];
	_ =	sdelay $0x3  }
0x33: {  	p0 =	seq.s32 s10, $0x1;
	s10 =	sld [smem:$0x3FB0];
	_ =	sdelay $0x3  }
0x34: {  	[smem:$0x3FB0] =	sst s10  }
0x35: {  	s10 =	sld [smem:$0x3FAF];
	_ =	sdelay $0x3  }
0x36: {  	p1 =	seq.s32 s10, $0x1;
	s10 =	sld [smem:$0x3FB0];
	_ =	sdelay $0x3  }
0x37: {  	[smem:$0x3FB0] =	sst s10  }
0x38: {  	s10 =	sld [smem:$0x3FB1]  }
0x39: {  	_ = 	snop;
	(pc) =	sbr.ind lr, $3  }
0x3a: {  	_ = 	snop  }
0x3b: {  	_ = 	snop  }
0x3c: {  	p2 =	seq.s32 s10, $0x1;
	s10 =	sld [smem:$0x3FB0]  }
0x3d: {  	_ =	shalt  }
0x3e: {  	_ =	shalt  }
0x3f: {  	_ =	shalt  }
0x40: {  	_ =	shalt  }
0x41: {  	_ =	shalt  }
0x42: {  	_ =	shalt  }
0x43: {  	_ =	shalt  }
0x44: {  	_ =	shalt  }
0x45: {  	_ =	shalt  }
0x46: {  	_ =	shalt  }
0x47: {  	_ =	shalt  }
0x48: {  	_ =	shalt  }
0x49: {  	_ =	shalt  }
0x4a: {  	_ =	shalt  }
0x4b: {  	_ =	shalt  }
0x4c: {  	_ =	shalt  }
0x4d: {  	_ =	shalt  }
0x4e: {  	_ =	shalt  }
0x4f: {  	_ =	shalt  }
0x50: {  	_ =	shalt  }
0x51: {  	_ =	shalt  }
0x52: {  	_ =	shalt  }
0x53: {  	_ =	shalt  }
0x54: {  	_ =	shalt  }
0x55: {  	_ =	shalt  }
0x56: {  	_ =	shalt  }
0x57: {  	_ =	shalt  }
0x58: {  	_ =	shalt  }
0x59: {  	_ =	shalt  }
0x5a: {  	_ =	shalt  }
0x5b: {  	_ =	shalt  }
0x5c: {  	_ =	shalt  }
0x5d: {  	_ =	shalt  }
0x5e: {  	_ =	shalt  }
0x5f: {  	_ =	shalt  }
0x60: {  	_ =	shalt  }
0x61: {  	_ =	shalt  }
0x62: {  	_ =	shalt  }
0x63: {  	_ =	shalt  }
0x64: {  	_ =	shalt  }
0x65: {  	_ =	shalt  }
0x66: {  	_ =	shalt  }
0x67: {  	_ =	shalt  }
0x68: {  	_ =	shalt  }
0x69: {  	_ =	shalt  }
0x6a: {  	_ =	shalt  }
0x6b: {  	_ =	shalt  }
0x6c: {  	_ =	shalt  }
0x6d: {  	_ =	shalt  }
0x6e: {  	_ =	shalt  }
0x6f: {  	_ =	shalt  }
0x70: {  	_ =	shalt  }
0x71: {  	_ =	shalt  }
0x72: {  	_ =	shalt  }
0x73: {  	_ =	shalt  }
0x74: {  	_ =	shalt  }
0x75: {  	_ =	shalt  }
0x76: {  	_ =	shalt  }
0x77: {  	_ =	shalt  }
0x78: {  	_ =	shalt  }
0x79: {  	_ =	shalt  }
0x7a: {  	_ =	shalt  }
0x7b: {  	_ =	shalt  }
0x7c: {  	_ =	shalt  }
0x7d: {  	_ =	shalt  }
0x7e: {  	_ =	shalt  }
0x7f: {  	_ =	shalt  }
0x80: {  	_ =	shalt  }
0x81: {  	_ =	shalt  }
0x82: {  	_ =	shalt  }
0x83: {  	_ =	shalt  }
0x84: {  	_ =	shalt  }
0x85: {  	_ =	shalt  }
0x86: {  	_ =	shalt  }
0x87: {  	_ =	shalt  }
.Lfunc_end0:
.L_simem_size_0:
called_computation.1_lowered:
.L_overlay_start_0:
0x88: {  	s2 =	sld [smem:$0x3FD9]  }
0x89: {  	s3 =	sld [smem:$0x3FFE];
	_ =	sdelay $0x1  }
0x8a: {  	s1 =	srdreg.scid  }
0x8b: {  	s0 =	sand.u32 $0x1, s1  }
0x8c: {  	s16 =	sshll.u32 s0, $0xA;
	s2 =	sadd.s32 s3, s2  }
0x8d: {  	s2 =	sadd.s32 s2, s16  }
0x8e: {  	[smem:$0x3FBC] =	sst s2  }
0x8f: {  	_ = 	snop  }
0x90: {  	(tm) =	ssettm $0x1  }
0x91: {  	s17 =	sld [smem:$0x3FFB];
	_ =	sdelay $0x3  }
0x92: {  	_ =	strace s17  }
0x93: {  	s2 =	sld [smem:$0x3FFC];
	_ =	sdelay $0x3  }
0x94: {  	_ =	strace s2  }
0x95: {  	s2 =	sld [smem:$0x3FFD];
	_ =	sdelay $0x3  }
0x96: {  	_ =	strace s2  }
0x97: {  	_ =	strace $0x8FFFFFFF  }
0x98: {  	s18 =	sld [smem:$0x3FDB];
	_ =	sdelay $0x1  }
0x99: {  	s19 =	simm.s32 $_scs_section_size  }
0x9a: {  	s4 =	simm.s32 $_size__tile_overlayer_lowered;
	s5 =	simm.s32 $_tile_overlayer_lowered  }
0x9b: {  	s22 =	simm.s32 $0x1BFF;
	s21 =	sshll.u32 s5, $0x1;
	s2 =	sadd.s32 s19, s18  }
0x9c: {  	s6 =	simm.s32 $0x0;
	s20 =	sshll.u32 s4, $0x1;
	s4 =	sadd.s32 s21, s2  }
0x9d: {  	[timem:s6], [sflag:s22] =	dma.local [hbm:s4], s20  }
0x9e: {  	_ =	swait.ge [sflag:s22], s20  }
0x9f: {  	s3 =	ssub.s32 $0x0, s20;
	[sflag:s22] =	ssyncset.done $0x0  }
0xa0: {  	[sflag:s22] =	ssyncadd.s32 s3;
	_ =	sdelay $0x1  }
0xa1: {  	s23 =	simm.s32 $0x1B8B  }
0xa2: {  	_ =	swait.ge [sflag:s23], $0x1  }
0xa3: {  	[sflag:s23] =	ssyncset.done $0x0  }
0xa4: {  	s25 =	simm.s32 $0x1B8E;
	s24 =	sld [smem:$0x3FFE];
	[sflag:s23] =	ssyncadd.s32 $0xFFFFFFFF  }
0xa5: {  	s26 =	simm.s32 $execute0_lowered;
	[smem:$0x3FD2] =	sst s25  }
0xa6: {  	s4 =	sshll.u32 s26, $0x1;
	_ =	strace $0x80000049;
	[dreg:$0x1] =	wrdreg $0xFFFFFFFF  }
0xa7: {  	s28 =	simm.s32 $_size_execute0_lowered;
	s2 =	sadd.s32 s2, s4;
	[dreg:$0x0] =	wrdreg $0x0  }
0xa8: {  	s4 =	sshll.u32 s28, $0x1;
	[dreg:$0x2] =	wrdreg s2  }
0xa9: {  	[dreg:$0x3] =	wrdreg s4  }
0xaa: {  	[dreg:$0x4] =	wrdreg $0xC0  }
0xab: {  	_ =	task [dreg:s6], $0x5FFFF  }
0xac: {  	[dreg:$0x1] =	wrdreg $0xFFFFFFFF  }
0xad: {  	[dreg:$0x0] =	wrdreg $0x60  }
0xae: {  	[dreg:$0x2] =	wrdreg s24  }
0xaf: {  	[dreg:$0x3] =	wrdreg $0x9  }
0xb0: {  	_ =	task.clear_ibuf [dreg:s6], $0x4FFFF;
	_ =	strace $0x90000049  }
0xb1: {  	s29 =	simm.s32 $0x9;
	_ =	strace $0x8000004B  }
0xb2: {  	_ =	swait.ge [sflag:s29], $0x1  }
0xb3: {  	[sflag:s29] =	ssyncadd.s32 $0xFFFFFFFF  }
0xb4: {  	_ =	strace $0x9000004B  }
0xb5: {  	_ =	sfence  }
0xb6: {  	s30 =	sld [smem:$0x0];
	_ =	sdelay $0x2  }
0xb7: {  	s31 =	sshll.u32 s1, $0xD;
	s1 =	sshrl.u32 s1, $0x2  }
0xb8: {  	s3 =	sand.u32 $0x4000, s31;
	s1 =	sadd.s32 s1, s30  }
0xb9: {  	s0 =	sor.u32 s3, s0;
	s1 =	sshll.u32 s1, $0x11  }
0xba: {  	s0 =	sor.u32 s1, s0  }
0xbb: {  	s0 =	sadd.s32 $0x8F2B, s0  }
0xbc: {  	[sflag:s0] =	ssyncadd.remote.s32 $0x1  }
0xbd: {  	_ =	sfence.sel $0xFFFF  }
0xbe: {  	[dreg:$0x0] =	wrdreg $0xFFFFFFFF;
	(pc) =	sbr.abs _section_cstart, $3  }
0xbf: {  	[dreg:$0x1] =	wrdreg $0xFFFFFFFF  }
0xc0: {  	_ =	task.clear_ibuf [dreg:s6], $0x2FFFF;
	_ =	strace $0x9FFFFFFF  }
0xc1: {  	(tm) =	ssettm $0x7FFFFFFF  }
tec
execute0_lowered:
.L_overlay_start_1:
0x0: {  	(tag) =	ssettag $0x1  }
0x1: {  	s1 =	srdreg.scid  }
0x2: {  	s0 =	stileid.u32;
	s4 =	rddreg [dreg:$0x0]  }
0x3: {  	s2 =	simm.s32 $0x0;
	s14 =	simm.s32 $0xB400;
	s15 =	simm.s32 $0x2  }
0x4: {  	s16 =	simm.s32 $0x62C0;
	s17 =	simm.s32 $0x0;
	s10 =	smul.u32 $0xC800, s0  }
0x5: {  	s6 =	sand.u32 $0x1, s1;
	s3 =	sshll.u32 s0, $0x1;
	s29 =	smul.u32 $0x64000, s0  }
0x6: {  	s1 =	rddreg [dreg:$0x1];
	s5 =	sor.u32 s6, s3;
	s28 =	smul.u32 $0x6400, s6  }
0x7: {  	[smem:$0x7FF] =	sst s2;
	s11 =	sadd.s32 $0x2E00, s4;
	s7 =	smul.u32 $0x6400, s5  }
0x8: {  	_ =	strace $0x8000004A;
	s8 =	ssub.s32 $0x2, s6;
	s9 =	smul.u32 $0x32000, s5  }
0x9: {  	s3 =	sadd.s32 $0x7A4000, s4;
	s12 =	smul.u32 $0x32000, s6;
	s26 =	sshrl.u32 s8, $0x1  }
0xa: {  	s30 =	sadd.s32 s29, s11;
	s7 =	sshrl.u32 s7, $0x3;
	s9 =	sadd.s32 s11, s9  }
0xb: {  	s25 =	sadd.s32 s7, s4;
	s7 =	ssub.s32 s8, s26;
	s8 =	sadd.s32 s28, s10  }
0xc: {  	s6 =	sadd.s32 $0x30C00, s9;
	s10 =	simm.s32 $0x3;
	s4 =	sadd.s32 $0xF45200, s25  }
0xd: {  	s5 =	smax.u32 s7, $0x1;
	s13 =	sshll.u32 s8, $0x3;
	s7 =	sadd.s32 $0x31600, s9  }
0xe: {  	s8 =	sadd.s32 s12, s30;
	s12 =	simm.s32 $0x1;
	s31 =	sadd.s32 s13, s11  }
0xf: {  	s11 =	simm.s32 $0x6400;
	s13 =	simm.s32 $0x140;
	s9 =	sadd.s32 $0xA00, s31  }
.LBB2_1:
0x10: {  	[tilespmem:s2], [sflag:$0x3] =	stream.linear.gather [hbm4b:s4+s2], $0x6400, $0x38;
	[tilespmem:$0x10400] =	vst v63  }
0x11: {  	_ =	swait.ge [sflag:s10], $0x6400  }
0x12: {  	[sflag:s10] =	ssyncset.done $0x0  }
0x13: {  	[sflag:s10] =	ssyncadd.s32 $0xFFFF9C00  }
0x14: {  	[tilespmem:s11], [sflag:$0x1] =	stream.indirect.gather [hbm4b:s3+s13], $0x40, s2, s13, $0xb8;
	[tilespmem:$0x10400] =	vst v63  }
0x15: {  	_ =	swait.ge [sflag:s12], $0x5000  }
0x16: {  	[sflag:s12] =	ssyncset.done $0x0  }
0x17: {  	[sflag:s12] =	ssyncadd.s32 $0xFFFFB000  }
0x18: {  	[tilespmem:s14], [sflag:$0x2] =	stream.indirect.gather [hbm4b:s3+s13], $0x40, s13, s13, $0xb8;
	[tilespmem:$0x10400] =	vst v63  }
0x19: {  	s18 =	sadd.s32 $0x0, s8  }
0x1a: {  	[hbm4b:s18+s2] =	stream.linear.scatter [tilespmem:s11], [sflag:$0x3], $0x5000, $0x38;
	[tilespmem:$0x10400] =	vst v63  }
0x1b: {  	_ =	swait.ge [sflag:s10], $0x5000  }
0x1c: {  	[sflag:s10] =	ssyncset.done $0x0  }
0x1d: {  	[sflag:s10] =	ssyncadd.s32 $0xFFFFB000  }
0x1e: {  	_ =	swait.ge [sflag:s15], $0x5000  }
0x1f: {  	[sflag:s15] =	ssyncset.done $0x0  }
0x20: {  	s30 =	simm.s32 $0x280;
	[sflag:s15] =	ssyncadd.s32 $0xFFFFB000  }
0x21: {  	[tilespmem:s11], [sflag:$0x1] =	stream.indirect.gather [hbm4b:s3+s13], $0x40, s30, s13, $0xb8;
	[tilespmem:$0x10400] =	vst v63  }
0x22: {  	s31 =	sadd.s32 $0x0, s9  }
0x23: {  	[hbm4b:s31+s2] =	stream.linear.scatter [tilespmem:s14], [sflag:$0x3], $0x5000, $0x38;
	[tilespmem:$0x10400] =	vst v63  }
0x24: {  	_ =	swait.ge [sflag:s10], $0x5000  }
0x25: {  	s19 =	simm.s32 $0x140;
	s18 =	simm.s32 $0x1400;
	[sflag:s10] =	ssyncset.done $0x0  }
.LBB2_2:
0x26: {  	p0 =	sne.s32 s18, $0x2F800;
	[sflag:s10] =	ssyncadd.s32 $0xFFFFB000;
	s19 =	sadd.s32 $0x280, s19  }
0x27: {  	s20 =	smov.u32 s18;
	s18 =	sadd.s32 $0x1400, s18  }
0x28: {  	_ =	swait.ge [sflag:s12], $0x5000  }
0x29: {  	[sflag:s12] =	ssyncset.done $0x0  }
0x2a: {  	[sflag:s12] =	ssyncadd.s32 $0xFFFFB000  }
0x2b: {  	[tilespmem:s14], [sflag:$0x2] =	stream.indirect.gather [hbm4b:s3+s13], $0x40, s19, s13, $0xb8;
	[tilespmem:$0x10400] =	vst v63  }
0x2c: {  	s21 =	sadd.s32 s20, s8  }
0x2d: {  	[hbm4b:s21+s2] =	stream.linear.scatter [tilespmem:s11], [sflag:$0x3], $0x5000, $0x38;
	[tilespmem:$0x10400] =	vst v63  }
0x2e: {  	_ =	swait.ge [sflag:s10], $0x5000  }
0x2f: {  	[sflag:s10] =	ssyncset.done $0x0  }
0x30: {  	[sflag:s10] =	ssyncadd.s32 $0xFFFFB000  }
0x31: {  	_ =	swait.ge [sflag:s15], $0x5000  }
0x32: {  	[sflag:s15] =	ssyncset.done $0x0  }
0x33: {  	s21 =	sadd.s32 $0x140, s19;
	[sflag:s15] =	ssyncadd.s32 $0xFFFFB000  }
0x34: {  	[tilespmem:s11], [sflag:$0x1] =	stream.indirect.gather [hbm4b:s3+s13], $0x40, s21, s13, $0xb8;
	[tilespmem:$0x10400] =	vst v63  }
.Ltmp0:
0x35: {  	_ = 	snop;
	(pc) =	sbr.rel @p0 .LBB2_2-.Ltmp0, $4  }
0x36: {  	s20 =	sadd.s32 s20, s9  }
0x37: {  	[hbm4b:s20+s2] =	stream.linear.scatter [tilespmem:s14], [sflag:$0x3], $0x5000, $0x38;
	[tilespmem:$0x10400] =	vst v63  }
0x38: {  	_ =	swait.ge [sflag:s10], $0x5000  }
0x39: {  	[sflag:s10] =	ssyncset.done $0x0  }
0x3a: {  	[sflag:s10] =	ssyncadd.s32 $0xFFFFB000  }
0x3b: {  	_ =	swait.ge [sflag:s12], $0x5000  }
0x3c: {  	[sflag:s12] =	ssyncset.done $0x0  }
0x3d: {  	[sflag:s12] =	ssyncadd.s32 $0xFFFFB000  }
0x3e: {  	[tilespmem:s14], [sflag:$0x2] =	stream.indirect.gather [hbm4b:s3+s13], $0x40, s16, s13, $0xb8;
	[tilespmem:$0x10400] =	vst v63  }
0x3f: {  	_ = 	snop  }
0x40: {  	[hbm4b:s6+s2] =	stream.linear.scatter [tilespmem:s11], [sflag:$0x3], $0x5000, $0x38;
	[tilespmem:$0x10400] =	vst v63  }
0x41: {  	_ =	swait.ge [sflag:s10], $0x5000  }
0x42: {  	[sflag:s10] =	ssyncset.done $0x0  }
0x43: {  	[sflag:s10] =	ssyncadd.s32 $0xFFFFB000  }
0x44: {  	s17 =	sadd.s32 $0x1, s17;
	_ =	swait.ge [sflag:s15], $0x5000  }
0x45: {  	p0 =	sne.s32 s17, s5;
	[sflag:s15] =	ssyncset.done $0x0  }
.Ltmp1:
0x46: {  	[sflag:s15] =	ssyncadd.s32 $0xFFFFB000;
	(pc) =	sbr.rel @p0 .LBB2_1-.Ltmp1, $4  }
0x47: {  	[hbm4b:s7+s2] =	stream.linear.scatter [tilespmem:s14], [sflag:$0x3], $0x5000, $0x38;
	[tilespmem:$0x10400] =	vst v63  }
0x48: {  	_ =	swait.ge [sflag:s10], $0x5000  }
0x49: {  	[sflag:s10] =	ssyncset.done $0x0  }
0x4a: {  	[sflag:s10] =	ssyncadd.s32 $0xFFFFB000  }
0x4b: {  	_ =	sfence.sel $0x180000  }
0x4c: {  	[bflag:$0x0] =	sbarrier.arrive $0xFFFF  }
0x4d: {  	p0 =	sne.s32 s0, $0x0;
	_ =	strace $0x9000004A  }
0x4e: {  	s0 =	sadd.s32 @!p0 $0x100000, s1;
	[bflag:$0x2] =	sbarrier.arrive $0xFFFF  }
0x4f: {  	[sflag:s0] =	ssyncadd.tile.s32 @!p0 $0x1;
	_ =	shalt  }
.Lfunc_end2:
_tile_overlayer_lowered:
.L_overlay_start_2:
0x50: {  	(tag) =	ssettag $0x2  }
0x51: {  	s0 =	rddreg [dreg:$0x0];
	s2 =	stileid.u32  }
0x52: {  	s1 =	rddreg [dreg:$0x1];
	p0 =	sne.s32 s2, $0x0  }
0x53: {  	s3 =	rddreg [dreg:$0x2];
	[bflag:$0x3] =	sbarrier.arrive $0xFFFF;
	s2 =	simm.s32 @!p0 $0x1C03  }
0x54: {  	[timem:s3], [sflag:s2] =	dma.local @!p0 [hbm:s0], s1  }
0x55: {  	s0 =	simm.s32 @!p0 $0x3  }
0x56: {  	_ =	swait.ge @!p0 [sflag:s0], s1  }
0x57: {  	s1 =	ssub.s32 @!p0 $0x0, s1;
	[sflag:s0] =	ssyncset.done @!p0 $0x0  }
0x58: {  	[sflag:s0] =	ssyncadd.s32 @!p0 s1  }
0x59: {  	[bflag:$0x3] =	sbarrier.arrive $0xFFFF  }
0x5a: {  	_ =	shalt  }

// kernel: sparse-core-data-format-call.cloned.1.call-start
scs
called_computation_lowered:
.L_overlay_start_0:
0x0: {  	s1 =	sld [smem:$0x3FD9]  }
0x1: {  	s2 =	sld [smem:$0x3FFE];
	_ =	sdelay $0x1  }
0x2: {  	s3 =	srdreg.scid  }
0x3: {  	s0 =	sand.u32 $0x1, s3  }
0x4: {  	s17 =	sshll.u32 s0, $0xA;
	s1 =	sadd.s32 s2, s1  }
0x5: {  	s1 =	sadd.s32 s1, s17  }
0x6: {  	[smem:$0x3FBC] =	sst s1  }
0x7: {  	_ = 	snop  }
0x8: {  	(tm) =	ssettm $0x1  }
0x9: {  	s18 =	sld [smem:$0x3FFB];
	_ =	sdelay $0x3  }
0xa: {  	_ =	strace s18  }
0xb: {  	s1 =	sld [smem:$0x3FFC];
	_ =	sdelay $0x3  }
0xc: {  	_ =	strace s1  }
0xd: {  	s1 =	sld [smem:$0x3FFD];
	_ =	sdelay $0x3  }
0xe: {  	_ =	strace s1  }
0xf: {  	_ =	strace $0x8FFFFFFF  }
0x10: {  	s19 =	sld [smem:$0x3FDB];
	_ =	sdelay $0x1  }
0x11: {  	s20 =	simm.s32 $_scs_section_size  }
0x12: {  	s4 =	simm.s32 $_size__tile_overlayer_lowered;
	s5 =	simm.s32 $_tile_overlayer_lowered  }
0x13: {  	s23 =	simm.s32 $0x1BFF;
	s22 =	sshll.u32 s5, $0x1;
	s1 =	sadd.s32 s20, s19  }
0x14: {  	s6 =	simm.s32 $0x0;
	s21 =	sshll.u32 s4, $0x1;
	s4 =	sadd.s32 s22, s1  }
0x15: {  	[timem:s6], [sflag:s23] =	dma.local [hbm:s4], s21  }
0x16: {  	_ =	swait.ge [sflag:s23], s21  }
0x17: {  	s2 =	ssub.s32 $0x0, s21;
	[sflag:s23] =	ssyncset.done $0x0  }
0x18: {  	[sflag:s23] =	ssyncadd.s32 s2;
	_ =	sdelay $0x1  }
0x19: {  	s24 =	simm.s32 $0x1B8B  }
0x1a: {  	_ =	swait.ge [sflag:s24], $0x1  }
0x1b: {  	[sflag:s24] =	ssyncset.done $0x0  }
0x1c: {  	s26 =	simm.s32 $0x1B8E;
	s25 =	sld [smem:$0x3FFE];
	[sflag:s24] =	ssyncadd.s32 $0xFFFFFFFF  }
0x1d: {  	s27 =	simm.s32 $execute0_lowered;
	[smem:$0x3FD2] =	sst s26  }
0x1e: {  	s4 =	sshll.u32 s27, $0x1;
	_ =	strace $0x80000046;
	[dreg:$0x1] =	wrdreg $0xFFFFFFFF  }
0x1f: {  	s28 =	simm.s32 $_size_execute0_lowered;
	s1 =	sadd.s32 s1, s4;
	[dreg:$0x0] =	wrdreg $0x0  }
0x20: {  	s4 =	sshll.u32 s28, $0x1;
	[dreg:$0x2] =	wrdreg s1  }
0x21: {  	[dreg:$0x3] =	wrdreg s4  }
0x22: {  	[dreg:$0x4] =	wrdreg $0xC0  }
0x23: {  	_ =	task [dreg:s6], $0x5FFFF  }
0x24: {  	[dreg:$0x1] =	wrdreg $0xFFFFFFFF  }
0x25: {  	[dreg:$0x0] =	wrdreg $0x60  }
0x26: {  	[dreg:$0x2] =	wrdreg s25  }
0x27: {  	[dreg:$0x3] =	wrdreg $0x9  }
0x28: {  	_ =	task.clear_ibuf [dreg:s6], $0x4FFFF;
	_ =	strace $0x90000046  }
0x29: {  	s29 =	simm.s32 $0x9;
	_ =	strace $0x80000048  }
0x2a: {  	_ =	swait.ge [sflag:s29], $0x1  }
0x2b: {  	[sflag:s29] =	ssyncadd.s32 $0xFFFFFFFF  }
0x2c: {  	_ =	strace $0x90000048  }
0x2d: {  	_ =	sfence  }
0x2e: {  	s30 =	sld [smem:$0x0];
	_ =	sdelay $0x2  }
0x2f: {  	s31 =	sshll.u32 s3, $0xD;
	s3 =	sshrl.u32 s3, $0x2  }
0x30: {  	s2 =	sand.u32 $0x4000, s31;
	s1 =	sadd.s32 s3, s30  }
0x31: {  	s0 =	sor.u32 s2, s0;
	s1 =	sshll.u32 s1, $0x11  }
0x32: {  	s0 =	sor.u32 s1, s0  }
0x33: {  	s0 =	sadd.s32 $0x8F2B, s0  }
0x34: {  	[sflag:s0] =	ssyncadd.remote.s32 $0x1  }
0x35: {  	_ =	sfence.sel $0xFFFF  }
0x36: {  	[dreg:$0x0] =	wrdreg $0xFFFFFFFF;
	(pc) =	sbr.abs _section_cstart, $3  }
0x37: {  	[dreg:$0x1] =	wrdreg $0xFFFFFFFF  }
0x38: {  	_ =	task.clear_ibuf [dreg:s6], $0x2FFFF;
	_ =	strace $0x9FFFFFFF  }
0x39: {  	(tm) =	ssettm $0x7FFFFFFF  }
tec
execute0_lowered:
.L_overlay_start_1:
0x0: {  	(tag) =	ssettag $0x1  }
0x1: {  	s0 =	srdreg.scid  }
0x2: {  	s5 =	rddreg [dreg:$0x0];
	s1 =	stileid.u32;
	s4 =	simm.s32 $0x1  }
0x3: {  	s6 =	simm.s32 $0x2;
	s8 =	simm.s32 $0x0;
	s2 =	sshll.u32 s0, $0x4  }
0x4: {  	s9 =	simm.s32 $0x0;
	s13 =	simm.s32 $0x0;
	s2 =	sand.u32 $0x10, s2  }
.Ltmp0:
0x5: {  	s10 =	simm.s32 $0x0;
	s3 =	sor.u32 s1, s2;
	(pc) =	sbr.rel .LBB1_1-.Ltmp0, $4  }
0x6: {  	s0 =	rddreg [dreg:$0x1];
	_ =	strace $0x80000047;
	s3 =	sshll.u32 s3, $0x4  }
0x7: {  	s12 =	simm.s32 $0x0;
	[sflag:s4] =	ssyncpa.u1 $0x0;
	s7 =	ssub.s32 $0xF420, s3  }
0x8: {  	s2 =	sadd.s32 $0x2E00, s5;
	[sflag:s6] =	ssyncpa.u1 $0x0;
	s6 =	sshrl.u32 s7, $0x9  }
0x9: {  	s5 =	sadd.s32 $0x7A4000, s5;
	s11 =	smov.u32 s3;
	s7 =	sadd.s32 $0x2, s6  }
.LBB1_7:
0xa: {  	s15 =	sshll.u32 s12, $0xF  }
0xb: {  	s15 =	sand.u32 $0x8000, s15  }
0xc: {  	s16 =	sshll.u32 s10, $0x7;
	s15 =	sshrl.u32 s15, $0x1  }
0xd: {  	s16 =	sadd.s32 s5, s16;
	s15 =	sor.u32 $0x8000, s15  }
0xe: {  	[hbm4b:s16+s8] =	stream.linear.scatter [tilespmem:s15], [sflag:$0x2], s14, $0x38;
	[tilespmem:$0x10000] =	vst v63  }
.LBB1_8:
0xf: {  	p0 =	slt.u32 s12, $0x2  }
0x10: {  	p1 =	sgt.s32 @!p0 s13, $0xF414  }
0x11: {  	s14 =	smov.u32 s13;
	s15 =	sshra.s32 @!p0 s13, $0x1F;
	p1 =	por !p1, p0  }
0x12: {  	s13 =	sand.u32 @!p0 s15, s13;
	s14 =	simm.s32 @p1 $0xF414  }
0x13: {  	s13 =	ssub.s32 @!p0 s14, s13  }
0x14: {  	s13 =	sadd.s32 @!p0 $0xFFFF0BEC, s13  }
0x15: {  	s14 =	sshll.u32 @!p0 s13, $0xC  }
0x16: {  	p1 =	sgt.s32 @!p0 s13, $0xF;
	s13 =	ssub.s32 @!p0 $0x10000, s14  }
0x17: {  	s15 =	sadd.s32 $0x200, s11;
	p1 =	por !p1, p0;
	s13 =	sshrl.u32 @!p0 s13, $0x2  }
0x18: {  	s13 =	simm.s32 @!p1 $0x0;
	p1 =	sgt.s32 s15, $0xF423  }
0x19: {  	s15 =	smov.u32 @p1 s3;
	p1 =	sne.s32 s12, s7  }
.Ltmp1:
0x1a: {  	_ = 	snop;
	(pc) =	sbr.rel @!p1 .LBB1_9-.Ltmp1, $4  }
0x1b: {  	s14 =	simm.s32 @!p0 $0x2  }
0x1c: {  	s9 =	sadd.s32 $0x8000, s9;
	_ =	swait.ge @!p0 [sflag:s14], s13;
	s16 =	ssub.s32 @!p0 $0x0, s13  }
0x1d: {  	s13 =	smov.u32 s10;
	s12 =	sadd.s32 $0x1, s12;
	[sflag:s14] =	ssyncset.done @!p0 $0x0  }
0x1e: {  	s10 =	smov.u32 s11;
	s11 =	smov.u32 s15;
	[sflag:s14] =	ssyncadd.s32 @!p0 s16  }
.LBB1_1:
0x1f: {  	p0 =	sgt.u32 s12, s6  }
0x20: {  	p1 =	sgt.s32 @!p0 s11, $0xF414  }
0x21: {  	s14 =	smov.u32 s11;
	s15 =	sshra.s32 @!p0 s11, $0x1F;
	p1 =	por !p1, p0  }
0x22: {  	s15 =	sand.u32 @!p0 s15, s11;
	s14 =	simm.s32 @p1 $0xF414  }
0x23: {  	s14 =	ssub.s32 @!p0 s14, s15  }
0x24: {  	s14 =	sadd.s32 @!p0 $0xFFFF0BEC, s14  }
0x25: {  	s16 =	sshll.u32 @!p0 s11, $0x7;
	s17 =	simm.s32 @!p0 $0x0;
	s15 =	sshll.u32 @!p0 s14, $0xC  }
0x26: {  	p1 =	sgt.s32 @!p0 s14, $0xF;
	s14 =	ssub.s32 @!p0 $0x10000, s15;
	s15 =	sxor.u32 @!p0 $0xFFFFFFFF, s12  }
0x27: {  	p1 =	por !p1, p0;
	s14 =	sshrl.u32 @!p0 s14, $0x2;
	s15 =	sshll.u32 @!p0 s15, $0xE  }
0x28: {  	s16 =	sadd.s32 @!p0 s2, s16;
	s14 =	simm.s32 @!p1 $0x0;
	s15 =	sand.u32 @!p0 $0x4000, s15  }
0x29: {  	[tilespmem:s15], [sflag:$0x1] =	stream.linear.gather @!p0 [hbm4b:s16+s17], s14, $0x38;
	[tilespmem:$0x10000] =	vst v63  }
0x2a: {  	p0 =	seq.s32 s12, $0x0  }
0x2b: {  	p1 =	sge.u32 @!p0 s12, s7  }
0x2c: {  	p0 =	por p0, p1  }
.Ltmp2:
0x2d: {  	_ = 	snop;
	(pc) =	sbr.rel @p0 .LBB1_8-.Ltmp2, $1  }
0x2e: {  	_ =	sdelay $0x3  }
0x2f: {  	p0 =	sgt.s32 s10, $0xF414;
	s14 =	smov.u32 s10;
	s15 =	sshra.s32 s10, $0x1F  }
0x30: {  	s14 =	simm.s32 @!p0 $0xF414;
	s15 =	sand.u32 s15, s10  }
0x31: {  	s14 =	ssub.s32 s14, s15  }
0x32: {  	s16 =	sadd.s32 $0x10, s10;
	s14 =	sadd.s32 $0xFFFF0BEC, s14  }
0x33: {  	p1 =	slt.s32 s16, $0xF424;
	s30 =	sshll.u32 s14, $0xC  }
0x34: {  	s16 =	simm.s32 @!p1 $0xF424;
	s15 =	ssub.s32 $0x10000, s30  }
0x35: {  	p0 =	sgt.s32 s14, $0xF;
	s14 =	sshrl.u32 s15, $0x2;
	s15 =	ssub.s32 s16, s10  }
0x36: {  	s14 =	simm.s32 @p0 $0x0;
	p0 =	slt.s32 s15, $0x1  }
.Ltmp3:
0x37: {  	_ = 	snop;
	(pc) =	sbr.rel @p0 .LBB1_7-.Ltmp3, $4  }
0x38: {  	_ = 	snop  }
0x39: {  	_ =	swait.ge [sflag:s4], s14  }
0x3a: {  	s31 =	ssub.s32 $0x0, s14;
	[sflag:s4] =	ssyncset.done $0x0  }
0x3b: {  	[sflag:s4] =	ssyncadd.s32 s31  }
0x3c: {  	s16 =	sshrl.u32 s9, $0x1  }
0x3d: {  	s17 =	sand.u32 $0x4000, s16  }
0x3e: {  	s18 =	simm.s32 $0x0;
	s16 =	sor.u32 $0x200, s17;
	s17 =	sor.u32 $0x8080, s17  }
.LBB1_4:
0x3f: {  	v0 =	vld [tilespmem:s16+$0xFFFFFE70]  }
0x40: {  	v1 =	vld [tilespmem:s16+$0x70]  }
0x41: {  	v2 =	vld [tilespmem:s16+$0x0]  }
0x42: {  	v3 =	vld [tilespmem:s16+$0xFFFFFE10]  }
0x43: {  	v4 =	vld [tilespmem:s16+$0x10]  }
0x44: {  	v5 =	vld [tilespmem:s16+$0xFFFFFE20]  }
0x45: {  	v7 =	vld [tilespmem:s16+$0x20]  }
0x46: {  	v11 =	vld [tilespmem:s16+$0x30];
	v6 =	vunpack.i.l.s16.s32 v0;
	v8 =	vunpack.i.u.s16.s32 v0;
	v9 =	vunpack.i.u.s16.s32 v1  }
0x47: {  	v10 =	vunpack.i.l.s16.s32 v1;
	v0 =	vunpack.i.u.s16.s32 v2;
	v1 =	vunpack.i.l.s16.s32 v2;
	v2 =	vld [tilespmem:s16+$0xFFFFFE30]  }
0x48: {  	v8 =	vpack.i.b32.b16 v9, v8;
	v9 =	vunpack.i.u.s16.s32 v3;
	v3 =	vunpack.i.l.s16.s32 v3  }
0x49: {  	v12 =	vld [tilespmem:s16+$0xFFFFFE40];
	v6 =	vpack.i.b32.b16 v10, v6;
	[tilespmem:s17+$0x70] =	vst v8;
	v8 =	vunpack.i.u.s16.s32 v4;
	v4 =	vunpack.i.l.s16.s32 v4  }
0x4a: {  	v13 =	vld [tilespmem:s16+$0x40];
	v10 =	vunpack.i.u.s16.s32 v5;
	v5 =	vunpack.i.l.s16.s32 v5;
	[tilespmem:s17+$0xFFFFFFF0] =	vst v6;
	v3 =	vpack.i.b32.b16 v4, v3  }
0x4b: {  	v6 =	vunpack.i.l.s16.s32 v7;
	v4 =	vld [tilespmem:s16+$0xFFFFFE50];
	[tilespmem:s17+$0xFFFFFF90] =	vst v3;
	v3 =	vpack.i.b32.b16 v8, v9;
	v8 =	vunpack.i.u.s16.s32 v7  }
0x4c: {  	v7 =	vunpack.i.l.s16.s32 v11;
	[tilespmem:s17+$0x10] =	vst v3;
	v3 =	vpack.i.b32.b16 v6, v5;
	v9 =	vunpack.i.u.s16.s32 v2;
	v6 =	vld [tilespmem:s16+$0x50]  }
0x4d: {  	v5 =	vunpack.i.l.s16.s32 v2;
	v2 =	vld [tilespmem:s16+$0xFFFFFE60];
	[tilespmem:s17+$0xFFFFFFA0] =	vst v3;
	v3 =	vpack.i.b32.b16 v8, v10;
	v10 =	vunpack.i.u.s16.s32 v11  }
0x4e: {  	s21 =	simm.s32 $0x0;
	v11 =	vpack.i.b32.b16 v7, v5;
	v7 =	vunpack.i.u.s16.s32 v12;
	v8 =	vunpack.i.l.s16.s32 v12;
	[tilespmem:s17+$0x20] =	vst v3;
	v3 =	vld [tilespmem:s16+$0x60]  }
0x4f: {  	s22 =	sadd.s32 $0x80, s16;
	s20 =	smov.u32 s17;
	s19 =	smov.u32 s17;
	v5 =	vld [tilespmem:s16+$0xFFFFFE00];
	[tilespmem:s17+$0xFFFFFFB0] =	vst v11;
	v10 =	vpack.i.b32.b16 v10, v9;
	v9 =	vunpack.i.u.s16.s32 v13;
	v11 =	vunpack.i.l.s16.s32 v13  }
.LBB1_5:
0x50: {  	v12 =	vld [tilespmem:s22+$0xFFFFFE70];
	[tilespmem:s20+$0x30] =	vst v10;
	v8 =	vpack.i.b32.b16 v11, v8;
	v10 =	vunpack.i.u.s16.s32 v4;
	v4 =	vunpack.i.l.s16.s32 v4  }
0x51: {  	s21 =	sadd.s32 $0x2, s21;
	v7 =	vpack.i.b32.b16 v9, v7;
	v11 =	vld [tilespmem:s22+$0x70];
	[tilespmem:s20+$0xFFFFFFC0] =	vst v8;
	v8 =	vunpack.i.u.s16.s32 v6;
	v6 =	vunpack.i.l.s16.s32 v6  }
0x52: {  	p0 =	slt.u32 s21, $0x6;
	v9 =	vld [tilespmem:s22+$0x0];
	[tilespmem:s20+$0x40] =	vst v7;
	v4 =	vpack.i.b32.b16 v6, v4;
	v6 =	vunpack.i.u.s16.s32 v2;
	v2 =	vunpack.i.l.s16.s32 v2  }
0x53: {  	v7 =	vld [tilespmem:s22+$0xFFFFFE10];
	[tilespmem:s20+$0xFFFFFFD0] =	vst v4;
	v4 =	vpack.i.b32.b16 v8, v10;
	v8 =	vunpack.i.u.s16.s32 v3;
	v3 =	vunpack.i.l.s16.s32 v3  }
0x54: {  	v10 =	vld [tilespmem:s22+$0x10];
	v13 =	vunpack.i.u.s16.s32 v5;
	v5 =	vunpack.i.l.s16.s32 v5;
	[tilespmem:s20+$0x50] =	vst v4;
	v2 =	vpack.i.b32.b16 v3, v2  }
0x55: {  	v3 =	vld [tilespmem:s22+$0xFFFFFE20];
	v4 =	vunpack.i.l.s16.s32 v12;
	v1 =	vpack.i.b32.b16 v1, v5;
	v5 =	vpack.i.b32.b16 v0, v13;
	[tilespmem:s20+$0xFFFFFFE0] =	vst v2  }
0x56: {  	v12 =	vunpack.i.u.s16.s32 v12;
	v2 =	vld [tilespmem:s22+$0x20];
	v13 =	vunpack.i.u.s16.s32 v11;
	v11 =	vunpack.i.l.s16.s32 v11;
	[tilespmem:s20+$0xFFFFFF80] =	vst v1  }
0x57: {  	s20 =	sadd.s32 $0x100, s20;
	v0 =	vunpack.i.u.s16.s32 v9;
	v1 =	vunpack.i.l.s16.s32 v9;
	v9 =	vld [tilespmem:s22+$0xFFFFFE30];
	v12 =	vpack.i.b32.b16 v13, v12;
	[tilespmem:s19+$0x0] =	vst v5  }
0x58: {  	v6 =	vpack.i.b32.b16 v8, v6;
	v5 =	vunpack.i.u.s16.s32 v7;
	v7 =	vunpack.i.l.s16.s32 v7;
	v13 =	vld [tilespmem:s22+$0x30];
	[tilespmem:s20+$0x70] =	vst v12  }
0x59: {  	v4 =	vpack.i.b32.b16 v11, v4;
	v8 =	vunpack.i.u.s16.s32 v10;
	v10 =	vunpack.i.l.s16.s32 v10;
	v12 =	vld [tilespmem:s22+$0xFFFFFE40];
	[tilespmem:s19+$0x60] =	vst v6;
	s19 =	smov.u32 s20  }
0x5a: {  	v6 =	vpack.i.b32.b16 v10, v7;
	v7 =	vunpack.i.u.s16.s32 v3;
	v3 =	vunpack.i.l.s16.s32 v3;
	v11 =	vld [tilespmem:s22+$0x40];
	[tilespmem:s20+$0xFFFFFFF0] =	vst v4  }
.Ltmp4:
0x5b: {  	v5 =	vpack.i.b32.b16 v8, v5;
	[tilespmem:s20+$0xFFFFFF90] =	vst v6;
	v8 =	vunpack.i.u.s16.s32 v2;
	v2 =	vunpack.i.l.s16.s32 v2;
	v4 =	vld [tilespmem:s22+$0xFFFFFE50];
	(pc) =	sbr.rel @p0 .LBB1_5-.Ltmp4, $4  }
0x5c: {  	[tilespmem:s20+$0x10] =	vst v5;
	v2 =	vpack.i.b32.b16 v2, v3;
	v10 =	vunpack.i.u.s16.s32 v9;
	v3 =	vunpack.i.l.s16.s32 v9;
	v6 =	vld [tilespmem:s22+$0x50]  }
0x5d: {  	v5 =	vpack.i.b32.b16 v8, v7;
	[tilespmem:s20+$0xFFFFFFA0] =	vst v2;
	v9 =	vunpack.i.u.s16.s32 v13;
	v7 =	vunpack.i.l.s16.s32 v13;
	v2 =	vld [tilespmem:s22+$0xFFFFFE60]  }
0x5e: {  	[tilespmem:s20+$0x20] =	vst v5;
	v13 =	vpack.i.b32.b16 v7, v3;
	v7 =	vunpack.i.u.s16.s32 v12;
	v8 =	vunpack.i.l.s16.s32 v12;
	v3 =	vld [tilespmem:s22+$0x60]  }
0x5f: {  	v10 =	vpack.i.b32.b16 v9, v10;
	v5 =	vld [tilespmem:s22+$0xFFFFFE00];
	[tilespmem:s20+$0xFFFFFFB0] =	vst v13;
	v9 =	vunpack.i.u.s16.s32 v11;
	v11 =	vunpack.i.l.s16.s32 v11;
	s22 =	sadd.s32 $0x80, s22  }
0x60: {  	[tilespmem:s20+$0x30] =	vst v10;
	v8 =	vpack.i.b32.b16 v11, v8  }
0x61: {  	v51 =	vunpack.i.l.s16.s32 v4;
	v7 =	vpack.i.b32.b16 v9, v7;
	[tilespmem:s20+$0xFFFFFFC0] =	vst v8;
	v52 =	vunpack.i.l.s16.s32 v6  }
0x62: {  	v53 =	vunpack.i.u.s16.s32 v4;
	s18 =	sadd.s32 $0x1, s18;
	v54 =	vunpack.i.u.s16.s32 v6;
	[tilespmem:s20+$0x40] =	vst v7;
	v55 =	vpack.i.b32.b16 v52, v51  }
0x63: {  	p0 =	sne.s32 s18, s15;
	v56 =	vunpack.i.l.s16.s32 v2;
	v4 =	vpack.i.b32.b16 v54, v53;
	[tilespmem:s20+$0xFFFFFFD0] =	vst v55;
	v57 =	vunpack.i.l.s16.s32 v3  }
.Ltmp5:
0x64: {  	[tilespmem:s20+$0x50] =	vst v4;
	v58 =	vunpack.i.l.s16.s32 v5;
	v59 =	vpack.i.b32.b16 v57, v56;
	(pc) =	sbr.rel @p0 .LBB1_4-.Ltmp5, $4  }
.Ltmp6:
0x65: {  	v61 =	vunpack.i.u.s16.s32 v2;
	v62 =	vunpack.i.u.s16.s32 v3;
	v1 =	vpack.i.b32.b16 v1, v58;
	[tilespmem:s20+$0xFFFFFFE0] =	vst v59;
	(pc) =	sbr.rel @!p0 .LBB1_7-.Ltmp6, $4  }
0x66: {  	v60 =	vunpack.i.u.s16.s32 v5;
	v63 =	vpack.i.b32.b16 v62, v61;
	[tilespmem:s20+$0xFFFFFF80] =	vst v1  }
0x67: {  	v0 =	vpack.i.b32.b16 v0, v60;
	[tilespmem:s19+$0x60] =	vst v63  }
0x68: {  	s16 =	sadd.s32 $0x400, s16;
	s17 =	sadd.s32 $0x400, s17;
	[tilespmem:s19+$0x0] =	vst v0  }
0x69: {  	_ = 	snop  }
.LBB1_9:
0x6a: {  	_ =	sfence.sel $0x180000  }
0x6b: {  	s2 =	simm.s32 $0x1;
	[bflag:$0x0] =	sbarrier.arrive $0xFFFF  }
0x6c: {  	s31 =	simm.s32 $0x2;
	[sflag:s2] =	ssyncpa.u1 $0x1  }
0x6d: {  	[sflag:s31] =	ssyncpa.u1 $0x1  }
0x6e: {  	p0 =	sne.s32 s1, $0x0;
	_ =	strace $0x90000047  }
0x6f: {  	s0 =	sadd.s32 @!p0 $0x100000, s0;
	[bflag:$0x2] =	sbarrier.arrive $0xFFFF  }
0x70: {  	[sflag:s0] =	ssyncadd.tile.s32 @!p0 $0x1;
	_ =	shalt  }
.Lfunc_end1:
_tile_overlayer_lowered:
.L_overlay_start_2:
0x71: {  	(tag) =	ssettag $0x2  }
0x72: {  	s0 =	rddreg [dreg:$0x0];
	s2 =	stileid.u32  }
0x73: {  	s1 =	rddreg [dreg:$0x1];
	p0 =	sne.s32 s2, $0x0  }
0x74: {  	s3 =	rddreg [dreg:$0x2];
	[bflag:$0x3] =	sbarrier.arrive $0xFFFF;
	s2 =	simm.s32 @!p0 $0x1C01  }
0x75: {  	[timem:s3], [sflag:s2] =	dma.local @!p0 [hbm:s0], s1  }
0x76: {  	s0 =	simm.s32 @!p0 $0x1  }
0x77: {  	_ =	swait.ge @!p0 [sflag:s0], s1  }
0x78: {  	s1 =	ssub.s32 @!p0 $0x0, s1;
	[sflag:s0] =	ssyncset.done @!p0 $0x0  }
0x79: {  	[sflag:s0] =	ssyncadd.s32 @!p0 s1  }
0x7a: {  	[bflag:$0x3] =	sbarrier.arrive $0xFFFF  }
0x7b: {  	_ =	shalt  }

</sc_bundles>
